<compile_context>
chip_gen: v7x
topology: tpu7x:2x2x1
jax: 0.10.2.dev20260603
libtpu: 0.0.44.dev20260713+nightly
codegen_flags: <defaults>
</compile_context>

<pallas_src>
import functools

import jax
import jax.numpy as jnp
from jax import lax
from jax.experimental import pallas as pl
from jax.experimental.pallas import tpu as pltpu
from jax.experimental.pallas import tpu_sc as plsc

_VOCAB = 10000
_EMBED = 128
_BATCH = 16384

_NC = 1
_NS = 16
_NW = _NC * _NS
_CHUNK = 128
_NCH = _BATCH // (_NW * _CHUNK)
_BPW = _NCH * _CHUNK

_TC_CHUNKS = [(i * 1024, 1024) for i in range(9)] + [(9216, 784)]


def _tc_precompute_body(table_hbm, w_ref, b_ref, y_ref, tbuf, sems):
    copies = []
    for k, (off, sz) in enumerate(_TC_CHUNKS):
        copies.append(pltpu.make_async_copy(
            table_hbm.at[pl.ds(off, sz), :],
            tbuf.at[pl.ds(off, sz), :],
            sems.at[k],
        ))
        copies[k].start()
    w = w_ref[...]
    b = b_ref[0, 0]
    for k, (off, sz) in enumerate(_TC_CHUNKS):
        copies[k].wait()
        t = jnp.maximum(tbuf[pl.ds(off, sz), :], 0.0)
        acc = lax.dot_general(
            t, w, (((1,), (1,)), ((), ())),
            preferred_element_type=jnp.float32)
        yv = jnp.transpose(acc)
        y_ref[:, pl.ds(off, sz)] = jax.nn.sigmoid(yv + b)


def _tc_precompute(table, w, b):
    table = pltpu.with_memory_space_constraint(table, pltpu.MemorySpace.HBM)
    return pl.pallas_call(
        _tc_precompute_body,
        in_specs=[
            pl.BlockSpec(memory_space=pl.ANY),
            pl.BlockSpec((1, _EMBED), lambda: (0, 0)),
            pl.BlockSpec((1, 1), lambda: (0, 0)),
        ],
        out_shape=jax.ShapeDtypeStruct((1, _VOCAB), jnp.float32),
        scratch_shapes=[
            pltpu.VMEM((_VOCAB, _EMBED), jnp.float32),
            pltpu.SemaphoreType.DMA((len(_TC_CHUNKS),)),
        ],
    )(table, w.reshape(1, _EMBED), b)


_sc_mesh = plsc.VectorSubcoreMesh(
    core_axis_name="c", subcore_axis_name="s", num_cores=_NC
)


@functools.partial(
    pl.kernel,
    mesh=_sc_mesh,
    out_type=jax.ShapeDtypeStruct((_BATCH,), jnp.float32),
    scratch_types=[
        pltpu.VMEM((_BPW,), jnp.int32),
        pltpu.VMEM((_BPW,), jnp.float32),
        pltpu.VMEM_SHARED((_VOCAB,), jnp.float32),
        pltpu.SemaphoreType.DMA,
    ],
)
def _sc_gather(idx_hbm, y_hbm, out_hbm, idx_v, vals_v, y_sh, sem):
    sid = lax.axis_index("s")
    wid = sid * _NC + lax.axis_index("c")
    base = wid * _BPW
    @pl.when(sid == 0)
    def _():
        pltpu.sync_copy(y_hbm.at[0], y_sh)
    pltpu.sync_copy(idx_hbm.at[pl.ds(base, _BPW)], idx_v)
    plsc.subcore_barrier()
    copies = [
        pltpu.async_copy(
            y_sh.at[idx_v.at[pl.ds(j * _CHUNK, _CHUNK)]],
            vals_v.at[pl.ds(j * _CHUNK, _CHUNK)],
            sem,
        )
        for j in range(_NCH)
    ]
    for c in copies:
        c.wait()
    pltpu.sync_copy(vals_v, out_hbm.at[pl.ds(base, _BPW)])


def kernel(x, table, kernel, bias):
    y = _tc_precompute(table, kernel, bias)
    return _sc_gather(x.astype(jnp.int32), y).reshape(_BATCH, 1)

# --- scband reference (transcript-rebuilt; emitter-appended) ---
"""Pipeline reference for scband-create-model-29935922053173 (READ-ONLY COPY).

The authoritative reference and input builder live on the scoring server;
editing this copy changes nothing except your own understanding.
"""

import jax, jax.numpy as jnp
import numpy as np

VOCAB = 10000
EMBED = 128
BATCH = 16384

def setup_inputs(seed: int = 0) -> dict:
    key = jax.random.key(seed)
    k1, k2, k3 = jax.random.split(key, 3)
    x = jax.random.randint(k1, (BATCH,), 0, VOCAB)
    table = jax.random.uniform(k2, (VOCAB, EMBED), minval=-1.0, maxval=1.0, dtype=jnp.float32)
    kernel = jax.random.uniform(k3, (EMBED, 1), minval=-1.0, maxval=1.0, dtype=jnp.float32)
    bias = jnp.zeros((1, 1), dtype=jnp.float32)
    return {"x": x, "table": table, "kernel": kernel, "bias": bias}

def reference(x, table, kernel, bias):
    # LookupEmbedding: cast to int, embedding_lookup, relu
    idx = x.astype(jnp.int32)
    emb = jnp.take(table, idx, axis=0)
    emb = jax.nn.relu(emb)
    # DenseLayer(1, activation=sigmoid)
    out = jnp.matmul(emb, kernel) + bias
    return jax.nn.sigmoid(out)

if __name__ == "__main__":
    import jax
    _d = setup_inputs()
    print(jax.jit(kernel)(*tuple(_d.values())))

</pallas_src>

<mosaic_0001>
#map = affine_map<(d0, d1) -> (0)>
#map1 = affine_map<(d0, d1) -> (0, 0)>
module attributes {stable_mosaic.version = 14 : i64} {
  func.func @_sc_gather(%arg0: i32, %arg1: i32, %arg2: memref<16384xi32, #tpu.memory_space<hbm>>, %arg3: memref<1x10000xf32, #tpu.memory_space<hbm>>, %arg4: memref<16384xf32, #tpu.memory_space<hbm>>, %arg5: memref<1024xi32, #tpu.memory_space<vmem>>, %arg6: memref<1024xf32, #tpu.memory_space<vmem>>, %arg7: memref<10000xf32, #tpu.memory_space<vmem_shared>>, %arg8: memref<!tpu.dma_semaphore, #tpu.memory_space<semaphore_mem>>) attributes {dimension_semantics = [#tpu.dimension_semantics<core_parallel>, #tpu.dimension_semantics<subcore_parallel>], iteration_bounds = array<i64: 1, 16>, scalar_prefetch = 0 : i64, scratch_operands = 4 : i64, tpu.core_type = #tpu.core_type<sc_vector_subcore>, window_params = [{transform_indices = #map}, {transform_indices = #map1}, {transform_indices = #map}]} {
    %mul3A = arith.constant 1 : i32
    %mul3A_0 = arith.muli %arg1, %mul3A : i32
    %add3A = arith.addi %mul3A_0, %arg0 : i32
    %mul3A_1 = arith.constant 1024 : i32
    %mul3A_2 = arith.muli %add3A, %mul3A_1 : i32
    %eq3A = arith.constant 0 : i32
    %eq3A_3 = arith.cmpi eq, %arg1, %eq3A : i32
    %convert_element_type3A = arith.extui %eq3A_3 : i1 to i32
    %cond3A = arith.constant 0 : i32
    %cond3A_4 = arith.cmpi ne, %convert_element_type3A, %cond3A : i32
    scf.if %cond3A_4 {
      %run_scoped3A = arith.constant 0 : i32
      "tpu.region"() ({
        %run_scoped3A_99 = tpu.sem_alloc : memref<!tpu.dma_semaphore, #tpu.memory_space<semaphore_mem>>
        %dma_start3A_100 = arith.constant 0 : i32
        %dma_start3A_101 = tpu.memref_slice %arg3[%run_scoped3A, %dma_start3A_100] : memref<1x10000xf32, #tpu.memory_space<hbm>> -> memref<1x10000xf32, #tpu.memory_space<hbm>>
        %dma_start3A_102 = tpu.memref_squeeze %dma_start3A_101 : memref<1x10000xf32, #tpu.memory_space<hbm>> -> memref<10000xf32, #tpu.memory_space<hbm>>
        tpu.enqueue_dma source(%dma_start3A_102 : memref<10000xf32, #tpu.memory_space<hbm>>) target(%arg7 : memref<10000xf32, #tpu.memory_space<vmem_shared>>) target_semaphore(%run_scoped3A_99 : memref<!tpu.dma_semaphore, #tpu.memory_space<semaphore_mem>>)
        %dma_wait3A_103 = arith.constant 0 : i32
        %dma_wait3A_104 = tpu.memref_slice %arg3[%run_scoped3A, %dma_wait3A_103] : memref<1x10000xf32, #tpu.memory_space<hbm>> -> memref<1x10000xf32, #tpu.memory_space<hbm>>
        %dma_wait3A_105 = tpu.memref_squeeze %dma_wait3A_104 : memref<1x10000xf32, #tpu.memory_space<hbm>> -> memref<10000xf32, #tpu.memory_space<hbm>>
        tpu.wait_dma2 semaphore(%run_scoped3A_99 : memref<!tpu.dma_semaphore, #tpu.memory_space<semaphore_mem>>) src(%dma_wait3A_105 : memref<10000xf32, #tpu.memory_space<hbm>>) dst(%arg7 : memref<10000xf32, #tpu.memory_space<vmem_shared>>)
        tpu.yield
      }) : () -> ()
    } else {
    }
    "tpu.region"() ({
      %run_scoped3A = tpu.sem_alloc : memref<!tpu.dma_semaphore, #tpu.memory_space<semaphore_mem>>
      %dma_start3A_99 = tpu.memref_slice %arg2[%mul3A_2] : memref<16384xi32, #tpu.memory_space<hbm>> -> memref<1024xi32, #tpu.memory_space<hbm>>
      %dma_start3A_100 = tpu.memref_slice %arg2[%mul3A_2] : memref<16384xi32, #tpu.memory_space<hbm>> -> memref<1024xi32, #tpu.memory_space<hbm>>
      tpu.enqueue_dma source(%dma_start3A_100 : memref<1024xi32, #tpu.memory_space<hbm>>) target(%arg5 : memref<1024xi32, #tpu.memory_space<vmem>>) target_semaphore(%run_scoped3A : memref<!tpu.dma_semaphore, #tpu.memory_space<semaphore_mem>>)
      %dma_wait3A_101 = tpu.memref_slice %arg2[%mul3A_2] : memref<16384xi32, #tpu.memory_space<hbm>> -> memref<1024xi32, #tpu.memory_space<hbm>>
      %dma_wait3A_102 = tpu.memref_slice %arg2[%mul3A_2] : memref<16384xi32, #tpu.memory_space<hbm>> -> memref<1024xi32, #tpu.memory_space<hbm>>
      tpu.wait_dma2 semaphore(%run_scoped3A : memref<!tpu.dma_semaphore, #tpu.memory_space<semaphore_mem>>) src(%dma_wait3A_102 : memref<1024xi32, #tpu.memory_space<hbm>>) dst(%arg5 : memref<1024xi32, #tpu.memory_space<vmem>>)
      tpu.yield
    }) : () -> ()
    %barrier3A = arith.constant 0 : index
    tpu.barrier barrier_id(%barrier3A)
    %dma_start3A = arith.constant 0 : i32
    %dma_start3A_5 = tpu.memref_slice %arg6[%dma_start3A] : memref<1024xf32, #tpu.memory_space<vmem>> -> memref<128xf32, #tpu.memory_space<vmem>>
    %dma_start3A_6 = arith.constant 0 : i32
    %dma_start3A_7 = tpu.memref_slice %arg5[%dma_start3A_6] : memref<1024xi32, #tpu.memory_space<vmem>> -> memref<128xi32, #tpu.memory_space<vmem>>
    %dma_start3A_8 = arith.constant 0 : i32
    %dma_start3A_9 = tpu.memref_slice %arg7[%dma_start3A_8] : memref<10000xf32, #tpu.memory_space<vmem_shared>> -> memref<10000xf32, #tpu.memory_space<vmem_shared>>
    tpu.enqueue_indirect_dma source(%dma_start3A_9 : memref<10000xf32, #tpu.memory_space<vmem_shared>>) target(%dma_start3A_5 : memref<128xf32, #tpu.memory_space<vmem>>) offsets(%dma_start3A_7 : memref<128xi32, #tpu.memory_space<vmem>>) semaphore(%arg8 : memref<!tpu.dma_semaphore, #tpu.memory_space<semaphore_mem>>)
    %dma_start3A_10 = arith.constant 128 : i32
    %dma_start3A_11 = tpu.memref_slice %arg6[%dma_start3A_10] : memref<1024xf32, #tpu.memory_space<vmem>> -> memref<128xf32, #tpu.memory_space<vmem>>
    %dma_start3A_12 = arith.constant 128 : i32
    %dma_start3A_13 = tpu.memref_slice %arg5[%dma_start3A_12] : memref<1024xi32, #tpu.memory_space<vmem>> -> memref<128xi32, #tpu.memory_space<vmem>>
    %dma_start3A_14 = arith.constant 0 : i32
    %dma_start3A_15 = tpu.memref_slice %arg7[%dma_start3A_14] : memref<10000xf32, #tpu.memory_space<vmem_shared>> -> memref<10000xf32, #tpu.memory_space<vmem_shared>>
    tpu.enqueue_indirect_dma source(%dma_start3A_15 : memref<10000xf32, #tpu.memory_space<vmem_shared>>) target(%dma_start3A_11 : memref<128xf32, #tpu.memory_space<vmem>>) offsets(%dma_start3A_13 : memref<128xi32, #tpu.memory_space<vmem>>) semaphore(%arg8 : memref<!tpu.dma_semaphore, #tpu.memory_space<semaphore_mem>>)
    %dma_start3A_16 = arith.constant 256 : i32
    %dma_start3A_17 = tpu.memref_slice %arg6[%dma_start3A_16] : memref<1024xf32, #tpu.memory_space<vmem>> -> memref<128xf32, #tpu.memory_space<vmem>>
    %dma_start3A_18 = arith.constant 256 : i32
    %dma_start3A_19 = tpu.memref_slice %arg5[%dma_start3A_18] : memref<1024xi32, #tpu.memory_space<vmem>> -> memref<128xi32, #tpu.memory_space<vmem>>
    %dma_start3A_20 = arith.constant 0 : i32
    %dma_start3A_21 = tpu.memref_slice %arg7[%dma_start3A_20] : memref<10000xf32, #tpu.memory_space<vmem_shared>> -> memref<10000xf32, #tpu.memory_space<vmem_shared>>
    tpu.enqueue_indirect_dma source(%dma_start3A_21 : memref<10000xf32, #tpu.memory_space<vmem_shared>>) target(%dma_start3A_17 : memref<128xf32, #tpu.memory_space<vmem>>) offsets(%dma_start3A_19 : memref<128xi32, #tpu.memory_space<vmem>>) semaphore(%arg8 : memref<!tpu.dma_semaphore, #tpu.memory_space<semaphore_mem>>)
    %dma_start3A_22 = arith.constant 384 : i32
    %dma_start3A_23 = tpu.memref_slice %arg6[%dma_start3A_22] : memref<1024xf32, #tpu.memory_space<vmem>> -> memref<128xf32, #tpu.memory_space<vmem>>
    %dma_start3A_24 = arith.constant 384 : i32
    %dma_start3A_25 = tpu.memref_slice %arg5[%dma_start3A_24] : memref<1024xi32, #tpu.memory_space<vmem>> -> memref<128xi32, #tpu.memory_space<vmem>>
    %dma_start3A_26 = arith.constant 0 : i32
    %dma_start3A_27 = tpu.memref_slice %arg7[%dma_start3A_26] : memref<10000xf32, #tpu.memory_space<vmem_shared>> -> memref<10000xf32, #tpu.memory_space<vmem_shared>>
    tpu.enqueue_indirect_dma source(%dma_start3A_27 : memref<10000xf32, #tpu.memory_space<vmem_shared>>) target(%dma_start3A_23 : memref<128xf32, #tpu.memory_space<vmem>>) offsets(%dma_start3A_25 : memref<128xi32, #tpu.memory_space<vmem>>) semaphore(%arg8 : memref<!tpu.dma_semaphore, #tpu.memory_space<semaphore_mem>>)
    %dma_start3A_28 = arith.constant 512 : i32
    %dma_start3A_29 = tpu.memref_slice %arg6[%dma_start3A_28] : memref<1024xf32, #tpu.memory_space<vmem>> -> memref<128xf32, #tpu.memory_space<vmem>>
    %dma_start3A_30 = arith.constant 512 : i32
    %dma_start3A_31 = tpu.memref_slice %arg5[%dma_start3A_30] : memref<1024xi32, #tpu.memory_space<vmem>> -> memref<128xi32, #tpu.memory_space<vmem>>
    %dma_start3A_32 = arith.constant 0 : i32
    %dma_start3A_33 = tpu.memref_slice %arg7[%dma_start3A_32] : memref<10000xf32, #tpu.memory_space<vmem_shared>> -> memref<10000xf32, #tpu.memory_space<vmem_shared>>
    tpu.enqueue_indirect_dma source(%dma_start3A_33 : memref<10000xf32, #tpu.memory_space<vmem_shared>>) target(%dma_start3A_29 : memref<128xf32, #tpu.memory_space<vmem>>) offsets(%dma_start3A_31 : memref<128xi32, #tpu.memory_space<vmem>>) semaphore(%arg8 : memref<!tpu.dma_semaphore, #tpu.memory_space<semaphore_mem>>)
    %dma_start3A_34 = arith.constant 640 : i32
    %dma_start3A_35 = tpu.memref_slice %arg6[%dma_start3A_34] : memref<1024xf32, #tpu.memory_space<vmem>> -> memref<128xf32, #tpu.memory_space<vmem>>
    %dma_start3A_36 = arith.constant 640 : i32
    %dma_start3A_37 = tpu.memref_slice %arg5[%dma_start3A_36] : memref<1024xi32, #tpu.memory_space<vmem>> -> memref<128xi32, #tpu.memory_space<vmem>>
    %dma_start3A_38 = arith.constant 0 : i32
    %dma_start3A_39 = tpu.memref_slice %arg7[%dma_start3A_38] : memref<10000xf32, #tpu.memory_space<vmem_shared>> -> memref<10000xf32, #tpu.memory_space<vmem_shared>>
    tpu.enqueue_indirect_dma source(%dma_start3A_39 : memref<10000xf32, #tpu.memory_space<vmem_shared>>) target(%dma_start3A_35 : memref<128xf32, #tpu.memory_space<vmem>>) offsets(%dma_start3A_37 : memref<128xi32, #tpu.memory_space<vmem>>) semaphore(%arg8 : memref<!tpu.dma_semaphore, #tpu.memory_space<semaphore_mem>>)
    %dma_start3A_40 = arith.constant 768 : i32
    %dma_start3A_41 = tpu.memref_slice %arg6[%dma_start3A_40] : memref<1024xf32, #tpu.memory_space<vmem>> -> memref<128xf32, #tpu.memory_space<vmem>>
    %dma_start3A_42 = arith.constant 768 : i32
    %dma_start3A_43 = tpu.memref_slice %arg5[%dma_start3A_42] : memref<1024xi32, #tpu.memory_space<vmem>> -> memref<128xi32, #tpu.memory_space<vmem>>
    %dma_start3A_44 = arith.constant 0 : i32
    %dma_start3A_45 = tpu.memref_slice %arg7[%dma_start3A_44] : memref<10000xf32, #tpu.memory_space<vmem_shared>> -> memref<10000xf32, #tpu.memory_space<vmem_shared>>
    tpu.enqueue_indirect_dma source(%dma_start3A_45 : memref<10000xf32, #tpu.memory_space<vmem_shared>>) target(%dma_start3A_41 : memref<128xf32, #tpu.memory_space<vmem>>) offsets(%dma_start3A_43 : memref<128xi32, #tpu.memory_space<vmem>>) semaphore(%arg8 : memref<!tpu.dma_semaphore, #tpu.memory_space<semaphore_mem>>)
    %dma_start3A_46 = arith.constant 896 : i32
    %dma_start3A_47 = tpu.memref_slice %arg6[%dma_start3A_46] : memref<1024xf32, #tpu.memory_space<vmem>> -> memref<128xf32, #tpu.memory_space<vmem>>
    %dma_start3A_48 = arith.constant 896 : i32
    %dma_start3A_49 = tpu.memref_slice %arg5[%dma_start3A_48] : memref<1024xi32, #tpu.memory_space<vmem>> -> memref<128xi32, #tpu.memory_space<vmem>>
    %dma_start3A_50 = arith.constant 0 : i32
    %dma_start3A_51 = tpu.memref_slice %arg7[%dma_start3A_50] : memref<10000xf32, #tpu.memory_space<vmem_shared>> -> memref<10000xf32, #tpu.memory_space<vmem_shared>>
    tpu.enqueue_indirect_dma source(%dma_start3A_51 : memref<10000xf32, #tpu.memory_space<vmem_shared>>) target(%dma_start3A_47 : memref<128xf32, #tpu.memory_space<vmem>>) offsets(%dma_start3A_49 : memref<128xi32, #tpu.memory_space<vmem>>) semaphore(%arg8 : memref<!tpu.dma_semaphore, #tpu.memory_space<semaphore_mem>>)
    %dma_wait3A = arith.constant 0 : i32
    %dma_wait3A_52 = tpu.memref_slice %arg6[%dma_wait3A] : memref<1024xf32, #tpu.memory_space<vmem>> -> memref<128xf32, #tpu.memory_space<vmem>>
    %dma_wait3A_53 = arith.constant 0 : i32
    %dma_wait3A_54 = tpu.memref_slice %arg5[%dma_wait3A_53] : memref<1024xi32, #tpu.memory_space<vmem>> -> memref<128xi32, #tpu.memory_space<vmem>>
    %dma_wait3A_55 = arith.constant 0 : i32
    %dma_wait3A_56 = tpu.memref_slice %arg7[%dma_wait3A_55] : memref<10000xf32, #tpu.memory_space<vmem_shared>> -> memref<10000xf32, #tpu.memory_space<vmem_shared>>
    tpu.wait_indirect_dma semaphore(%arg8 : memref<!tpu.dma_semaphore, #tpu.memory_space<semaphore_mem>>) src(%dma_wait3A_56 : memref<10000xf32, #tpu.memory_space<vmem_shared>>) dst(%dma_wait3A_52 : memref<128xf32, #tpu.memory_space<vmem>>)
    %dma_wait3A_57 = arith.constant 128 : i32
    %dma_wait3A_58 = tpu.memref_slice %arg6[%dma_wait3A_57] : memref<1024xf32, #tpu.memory_space<vmem>> -> memref<128xf32, #tpu.memory_space<vmem>>
    %dma_wait3A_59 = arith.constant 128 : i32
    %dma_wait3A_60 = tpu.memref_slice %arg5[%dma_wait3A_59] : memref<1024xi32, #tpu.memory_space<vmem>> -> memref<128xi32, #tpu.memory_space<vmem>>
    %dma_wait3A_61 = arith.constant 0 : i32
    %dma_wait3A_62 = tpu.memref_slice %arg7[%dma_wait3A_61] : memref<10000xf32, #tpu.memory_space<vmem_shared>> -> memref<10000xf32, #tpu.memory_space<vmem_shared>>
    tpu.wait_indirect_dma semaphore(%arg8 : memref<!tpu.dma_semaphore, #tpu.memory_space<semaphore_mem>>) src(%dma_wait3A_62 : memref<10000xf32, #tpu.memory_space<vmem_shared>>) dst(%dma_wait3A_58 : memref<128xf32, #tpu.memory_space<vmem>>)
    %dma_wait3A_63 = arith.constant 256 : i32
    %dma_wait3A_64 = tpu.memref_slice %arg6[%dma_wait3A_63] : memref<1024xf32, #tpu.memory_space<vmem>> -> memref<128xf32, #tpu.memory_space<vmem>>
    %dma_wait3A_65 = arith.constant 256 : i32
    %dma_wait3A_66 = tpu.memref_slice %arg5[%dma_wait3A_65] : memref<1024xi32, #tpu.memory_space<vmem>> -> memref<128xi32, #tpu.memory_space<vmem>>
    %dma_wait3A_67 = arith.constant 0 : i32
    %dma_wait3A_68 = tpu.memref_slice %arg7[%dma_wait3A_67] : memref<10000xf32, #tpu.memory_space<vmem_shared>> -> memref<10000xf32, #tpu.memory_space<vmem_shared>>
    tpu.wait_indirect_dma semaphore(%arg8 : memref<!tpu.dma_semaphore, #tpu.memory_space<semaphore_mem>>) src(%dma_wait3A_68 : memref<10000xf32, #tpu.memory_space<vmem_shared>>) dst(%dma_wait3A_64 : memref<128xf32, #tpu.memory_space<vmem>>)
    %dma_wait3A_69 = arith.constant 384 : i32
    %dma_wait3A_70 = tpu.memref_slice %arg6[%dma_wait3A_69] : memref<1024xf32, #tpu.memory_space<vmem>> -> memref<128xf32, #tpu.memory_space<vmem>>
    %dma_wait3A_71 = arith.constant 384 : i32
    %dma_wait3A_72 = tpu.memref_slice %arg5[%dma_wait3A_71] : memref<1024xi32, #tpu.memory_space<vmem>> -> memref<128xi32, #tpu.memory_space<vmem>>
    %dma_wait3A_73 = arith.constant 0 : i32
    %dma_wait3A_74 = tpu.memref_slice %arg7[%dma_wait3A_73] : memref<10000xf32, #tpu.memory_space<vmem_shared>> -> memref<10000xf32, #tpu.memory_space<vmem_shared>>
    tpu.wait_indirect_dma semaphore(%arg8 : memref<!tpu.dma_semaphore, #tpu.memory_space<semaphore_mem>>) src(%dma_wait3A_74 : memref<10000xf32, #tpu.memory_space<vmem_shared>>) dst(%dma_wait3A_70 : memref<128xf32, #tpu.memory_space<vmem>>)
    %dma_wait3A_75 = arith.constant 512 : i32
    %dma_wait3A_76 = tpu.memref_slice %arg6[%dma_wait3A_75] : memref<1024xf32, #tpu.memory_space<vmem>> -> memref<128xf32, #tpu.memory_space<vmem>>
    %dma_wait3A_77 = arith.constant 512 : i32
    %dma_wait3A_78 = tpu.memref_slice %arg5[%dma_wait3A_77] : memref<1024xi32, #tpu.memory_space<vmem>> -> memref<128xi32, #tpu.memory_space<vmem>>
    %dma_wait3A_79 = arith.constant 0 : i32
    %dma_wait3A_80 = tpu.memref_slice %arg7[%dma_wait3A_79] : memref<10000xf32, #tpu.memory_space<vmem_shared>> -> memref<10000xf32, #tpu.memory_space<vmem_shared>>
    tpu.wait_indirect_dma semaphore(%arg8 : memref<!tpu.dma_semaphore, #tpu.memory_space<semaphore_mem>>) src(%dma_wait3A_80 : memref<10000xf32, #tpu.memory_space<vmem_shared>>) dst(%dma_wait3A_76 : memref<128xf32, #tpu.memory_space<vmem>>)
    %dma_wait3A_81 = arith.constant 640 : i32
    %dma_wait3A_82 = tpu.memref_slice %arg6[%dma_wait3A_81] : memref<1024xf32, #tpu.memory_space<vmem>> -> memref<128xf32, #tpu.memory_space<vmem>>
    %dma_wait3A_83 = arith.constant 640 : i32
    %dma_wait3A_84 = tpu.memref_slice %arg5[%dma_wait3A_83] : memref<1024xi32, #tpu.memory_space<vmem>> -> memref<128xi32, #tpu.memory_space<vmem>>
    %dma_wait3A_85 = arith.constant 0 : i32
    %dma_wait3A_86 = tpu.memref_slice %arg7[%dma_wait3A_85] : memref<10000xf32, #tpu.memory_space<vmem_shared>> -> memref<10000xf32, #tpu.memory_space<vmem_shared>>
    tpu.wait_indirect_dma semaphore(%arg8 : memref<!tpu.dma_semaphore, #tpu.memory_space<semaphore_mem>>) src(%dma_wait3A_86 : memref<10000xf32, #tpu.memory_space<vmem_shared>>) dst(%dma_wait3A_82 : memref<128xf32, #tpu.memory_space<vmem>>)
    %dma_wait3A_87 = arith.constant 768 : i32
    %dma_wait3A_88 = tpu.memref_slice %arg6[%dma_wait3A_87] : memref<1024xf32, #tpu.memory_space<vmem>> -> memref<128xf32, #tpu.memory_space<vmem>>
    %dma_wait3A_89 = arith.constant 768 : i32
    %dma_wait3A_90 = tpu.memref_slice %arg5[%dma_wait3A_89] : memref<1024xi32, #tpu.memory_space<vmem>> -> memref<128xi32, #tpu.memory_space<vmem>>
    %dma_wait3A_91 = arith.constant 0 : i32
    %dma_wait3A_92 = tpu.memref_slice %arg7[%dma_wait3A_91] : memref<10000xf32, #tpu.memory_space<vmem_shared>> -> memref<10000xf32, #tpu.memory_space<vmem_shared>>
    tpu.wait_indirect_dma semaphore(%arg8 : memref<!tpu.dma_semaphore, #tpu.memory_space<semaphore_mem>>) src(%dma_wait3A_92 : memref<10000xf32, #tpu.memory_space<vmem_shared>>) dst(%dma_wait3A_88 : memref<128xf32, #tpu.memory_space<vmem>>)
    %dma_wait3A_93 = arith.constant 896 : i32
    %dma_wait3A_94 = tpu.memref_slice %arg6[%dma_wait3A_93] : memref<1024xf32, #tpu.memory_space<vmem>> -> memref<128xf32, #tpu.memory_space<vmem>>
    %dma_wait3A_95 = arith.constant 896 : i32
    %dma_wait3A_96 = tpu.memref_slice %arg5[%dma_wait3A_95] : memref<1024xi32, #tpu.memory_space<vmem>> -> memref<128xi32, #tpu.memory_space<vmem>>
    %dma_wait3A_97 = arith.constant 0 : i32
    %dma_wait3A_98 = tpu.memref_slice %arg7[%dma_wait3A_97] : memref<10000xf32, #tpu.memory_space<vmem_shared>> -> memref<10000xf32, #tpu.memory_space<vmem_shared>>
    tpu.wait_indirect_dma semaphore(%arg8 : memref<!tpu.dma_semaphore, #tpu.memory_space<semaphore_mem>>) src(%dma_wait3A_98 : memref<10000xf32, #tpu.memory_space<vmem_shared>>) dst(%dma_wait3A_94 : memref<128xf32, #tpu.memory_space<vmem>>)
    "tpu.region"() ({
      %run_scoped3A = tpu.sem_alloc : memref<!tpu.dma_semaphore, #tpu.memory_space<semaphore_mem>>
      %dma_start3A_99 = tpu.memref_slice %arg4[%mul3A_2] : memref<16384xf32, #tpu.memory_space<hbm>> -> memref<1024xf32, #tpu.memory_space<hbm>>
      %dma_start3A_100 = tpu.memref_slice %arg4[%mul3A_2] : memref<16384xf32, #tpu.memory_space<hbm>> -> memref<1024xf32, #tpu.memory_space<hbm>>
      tpu.enqueue_dma source(%arg6 : memref<1024xf32, #tpu.memory_space<vmem>>) target(%dma_start3A_100 : memref<1024xf32, #tpu.memory_space<hbm>>) target_semaphore(%run_scoped3A : memref<!tpu.dma_semaphore, #tpu.memory_space<semaphore_mem>>)
      %dma_wait3A_101 = tpu.memref_slice %arg4[%mul3A_2] : memref<16384xf32, #tpu.memory_space<hbm>> -> memref<1024xf32, #tpu.memory_space<hbm>>
      %dma_wait3A_102 = tpu.memref_slice %arg4[%mul3A_2] : memref<16384xf32, #tpu.memory_space<hbm>> -> memref<1024xf32, #tpu.memory_space<hbm>>
      tpu.wait_dma2 semaphore(%run_scoped3A : memref<!tpu.dma_semaphore, #tpu.memory_space<semaphore_mem>>) src(%arg6 : memref<1024xf32, #tpu.memory_space<vmem>>) dst(%dma_wait3A_102 : memref<1024xf32, #tpu.memory_space<hbm>>)
      tpu.yield
    }) : () -> ()
    return
  }
}

module attributes {stable_mosaic.version = 14 : i64} {
  func.func @_tc_precompute_body(%arg0: memref<10000x128xf32, #tpu.memory_space<any>>, %arg1: memref<1x128xf32, #tpu.memory_space<vmem>>, %arg2: memref<1x1xf32, #tpu.memory_space<vmem>>, %arg3: memref<1x10000xf32, #tpu.memory_space<vmem>>, %arg4: memref<10000x128xf32, #tpu.memory_space<vmem>>, %arg5: memref<10x!tpu.dma_semaphore, #tpu.memory_space<semaphore_mem>>) attributes {dimension_semantics = [], scalar_prefetch = 0 : i64, scratch_operands = 2 : i64, tpu.core_type = #tpu.core_type<tc>} {
    %dma_start3A = arith.constant 0 : i32
    %dma_start3A_0 = tpu.memref_slice %arg5[%dma_start3A] : memref<10x!tpu.dma_semaphore, #tpu.memory_space<semaphore_mem>> -> memref<1x!tpu.dma_semaphore, #tpu.memory_space<semaphore_mem>>
    %dma_start3A_1 = tpu.memref_squeeze %dma_start3A_0 : memref<1x!tpu.dma_semaphore, #tpu.memory_space<semaphore_mem>> -> memref<!tpu.dma_semaphore, #tpu.memory_space<semaphore_mem>>
    %dma_start3A_2 = arith.constant 0 : i32
    %dma_start3A_3 = arith.constant 0 : i32
    %dma_start3A_4 = tpu.memref_slice %arg4[%dma_start3A_2, %dma_start3A_3] : memref<10000x128xf32, #tpu.memory_space<vmem>> -> memref<1024x128xf32, #tpu.memory_space<vmem>>
    %dma_start3A_5 = arith.constant 0 : i32
    %dma_start3A_6 = arith.constant 0 : i32
    %dma_start3A_7 = tpu.memref_slice %arg0[%dma_start3A_5, %dma_start3A_6] : memref<10000x128xf32, #tpu.memory_space<any>> -> memref<1024x128xf32, #tpu.memory_space<any>>
    tpu.enqueue_dma source(%dma_start3A_7 : memref<1024x128xf32, #tpu.memory_space<any>>) target(%dma_start3A_4 : memref<1024x128xf32, #tpu.memory_space<vmem>>) target_semaphore(%dma_start3A_1 : memref<!tpu.dma_semaphore, #tpu.memory_space<semaphore_mem>>)
    %dma_start3A_8 = arith.constant 1 : i32
    %dma_start3A_9 = tpu.memref_slice %arg5[%dma_start3A_8] : memref<10x!tpu.dma_semaphore, #tpu.memory_space<semaphore_mem>> -> memref<1x!tpu.dma_semaphore, #tpu.memory_space<semaphore_mem>>
    %dma_start3A_10 = tpu.memref_squeeze %dma_start3A_9 : memref<1x!tpu.dma_semaphore, #tpu.memory_space<semaphore_mem>> -> memref<!tpu.dma_semaphore, #tpu.memory_space<semaphore_mem>>
    %dma_start3A_11 = arith.constant 1024 : i32
    %dma_start3A_12 = arith.constant 0 : i32
    %dma_start3A_13 = tpu.memref_slice %arg4[%dma_start3A_11, %dma_start3A_12] : memref<10000x128xf32, #tpu.memory_space<vmem>> -> memref<1024x128xf32, #tpu.memory_space<vmem>>
    %dma_start3A_14 = arith.constant 1024 : i32
    %dma_start3A_15 = arith.constant 0 : i32
    %dma_start3A_16 = tpu.memref_slice %arg0[%dma_start3A_14, %dma_start3A_15] : memref<10000x128xf32, #tpu.memory_space<any>> -> memref<1024x128xf32, #tpu.memory_space<any>>
    tpu.enqueue_dma source(%dma_start3A_16 : memref<1024x128xf32, #tpu.memory_space<any>>) target(%dma_start3A_13 : memref<1024x128xf32, #tpu.memory_space<vmem>>) target_semaphore(%dma_start3A_10 : memref<!tpu.dma_semaphore, #tpu.memory_space<semaphore_mem>>)
    %dma_start3A_17 = arith.constant 2 : i32
    %dma_start3A_18 = tpu.memref_slice %arg5[%dma_start3A_17] : memref<10x!tpu.dma_semaphore, #tpu.memory_space<semaphore_mem>> -> memref<1x!tpu.dma_semaphore, #tpu.memory_space<semaphore_mem>>
    %dma_start3A_19 = tpu.memref_squeeze %dma_start3A_18 : memref<1x!tpu.dma_semaphore, #tpu.memory_space<semaphore_mem>> -> memref<!tpu.dma_semaphore, #tpu.memory_space<semaphore_mem>>
    %dma_start3A_20 = arith.constant 2048 : i32
    %dma_start3A_21 = arith.constant 0 : i32
    %dma_start3A_22 = tpu.memref_slice %arg4[%dma_start3A_20, %dma_start3A_21] : memref<10000x128xf32, #tpu.memory_space<vmem>> -> memref<1024x128xf32, #tpu.memory_space<vmem>>
    %dma_start3A_23 = arith.constant 2048 : i32
    %dma_start3A_24 = arith.constant 0 : i32
    %dma_start3A_25 = tpu.memref_slice %arg0[%dma_start3A_23, %dma_start3A_24] : memref<10000x128xf32, #tpu.memory_space<any>> -> memref<1024x128xf32, #tpu.memory_space<any>>
    tpu.enqueue_dma source(%dma_start3A_25 : memref<1024x128xf32, #tpu.memory_space<any>>) target(%dma_start3A_22 : memref<1024x128xf32, #tpu.memory_space<vmem>>) target_semaphore(%dma_start3A_19 : memref<!tpu.dma_semaphore, #tpu.memory_space<semaphore_mem>>)
    %dma_start3A_26 = arith.constant 3 : i32
    %dma_start3A_27 = tpu.memref_slice %arg5[%dma_start3A_26] : memref<10x!tpu.dma_semaphore, #tpu.memory_space<semaphore_mem>> -> memref<1x!tpu.dma_semaphore, #tpu.memory_space<semaphore_mem>>
    %dma_start3A_28 = tpu.memref_squeeze %dma_start3A_27 : memref<1x!tpu.dma_semaphore, #tpu.memory_space<semaphore_mem>> -> memref<!tpu.dma_semaphore, #tpu.memory_space<semaphore_mem>>
    %dma_start3A_29 = arith.constant 3072 : i32
    %dma_start3A_30 = arith.constant 0 : i32
    %dma_start3A_31 = tpu.memref_slice %arg4[%dma_start3A_29, %dma_start3A_30] : memref<10000x128xf32, #tpu.memory_space<vmem>> -> memref<1024x128xf32, #tpu.memory_space<vmem>>
    %dma_start3A_32 = arith.constant 3072 : i32
    %dma_start3A_33 = arith.constant 0 : i32
    %dma_start3A_34 = tpu.memref_slice %arg0[%dma_start3A_32, %dma_start3A_33] : memref<10000x128xf32, #tpu.memory_space<any>> -> memref<1024x128xf32, #tpu.memory_space<any>>
    tpu.enqueue_dma source(%dma_start3A_34 : memref<1024x128xf32, #tpu.memory_space<any>>) target(%dma_start3A_31 : memref<1024x128xf32, #tpu.memory_space<vmem>>) target_semaphore(%dma_start3A_28 : memref<!tpu.dma_semaphore, #tpu.memory_space<semaphore_mem>>)
    %dma_start3A_35 = arith.constant 4 : i32
    %dma_start3A_36 = tpu.memref_slice %arg5[%dma_start3A_35] : memref<10x!tpu.dma_semaphore, #tpu.memory_space<semaphore_mem>> -> memref<1x!tpu.dma_semaphore, #tpu.memory_space<semaphore_mem>>
    %dma_start3A_37 = tpu.memref_squeeze %dma_start3A_36 : memref<1x!tpu.dma_semaphore, #tpu.memory_space<semaphore_mem>> -> memref<!tpu.dma_semaphore, #tpu.memory_space<semaphore_mem>>
    %dma_start3A_38 = arith.constant 4096 : i32
    %dma_start3A_39 = arith.constant 0 : i32
    %dma_start3A_40 = tpu.memref_slice %arg4[%dma_start3A_38, %dma_start3A_39] : memref<10000x128xf32, #tpu.memory_space<vmem>> -> memref<1024x128xf32, #tpu.memory_space<vmem>>
    %dma_start3A_41 = arith.constant 4096 : i32
    %dma_start3A_42 = arith.constant 0 : i32
    %dma_start3A_43 = tpu.memref_slice %arg0[%dma_start3A_41, %dma_start3A_42] : memref<10000x128xf32, #tpu.memory_space<any>> -> memref<1024x128xf32, #tpu.memory_space<any>>
    tpu.enqueue_dma source(%dma_start3A_43 : memref<1024x128xf32, #tpu.memory_space<any>>) target(%dma_start3A_40 : memref<1024x128xf32, #tpu.memory_space<vmem>>) target_semaphore(%dma_start3A_37 : memref<!tpu.dma_semaphore, #tpu.memory_space<semaphore_mem>>)
    %dma_start3A_44 = arith.constant 5 : i32
    %dma_start3A_45 = tpu.memref_slice %arg5[%dma_start3A_44] : memref<10x!tpu.dma_semaphore, #tpu.memory_space<semaphore_mem>> -> memref<1x!tpu.dma_semaphore, #tpu.memory_space<semaphore_mem>>
    %dma_start3A_46 = tpu.memref_squeeze %dma_start3A_45 : memref<1x!tpu.dma_semaphore, #tpu.memory_space<semaphore_mem>> -> memref<!tpu.dma_semaphore, #tpu.memory_space<semaphore_mem>>
    %dma_start3A_47 = arith.constant 5120 : i32
    %dma_start3A_48 = arith.constant 0 : i32
    %dma_start3A_49 = tpu.memref_slice %arg4[%dma_start3A_47, %dma_start3A_48] : memref<10000x128xf32, #tpu.memory_space<vmem>> -> memref<1024x128xf32, #tpu.memory_space<vmem>>
    %dma_start3A_50 = arith.constant 5120 : i32
    %dma_start3A_51 = arith.constant 0 : i32
    %dma_start3A_52 = tpu.memref_slice %arg0[%dma_start3A_50, %dma_start3A_51] : memref<10000x128xf32, #tpu.memory_space<any>> -> memref<1024x128xf32, #tpu.memory_space<any>>
    tpu.enqueue_dma source(%dma_start3A_52 : memref<1024x128xf32, #tpu.memory_space<any>>) target(%dma_start3A_49 : memref<1024x128xf32, #tpu.memory_space<vmem>>) target_semaphore(%dma_start3A_46 : memref<!tpu.dma_semaphore, #tpu.memory_space<semaphore_mem>>)
    %dma_start3A_53 = arith.constant 6 : i32
    %dma_start3A_54 = tpu.memref_slice %arg5[%dma_start3A_53] : memref<10x!tpu.dma_semaphore, #tpu.memory_space<semaphore_mem>> -> memref<1x!tpu.dma_semaphore, #tpu.memory_space<semaphore_mem>>
    %dma_start3A_55 = tpu.memref_squeeze %dma_start3A_54 : memref<1x!tpu.dma_semaphore, #tpu.memory_space<semaphore_mem>> -> memref<!tpu.dma_semaphore, #tpu.memory_space<semaphore_mem>>
    %dma_start3A_56 = arith.constant 6144 : i32
    %dma_start3A_57 = arith.constant 0 : i32
    %dma_start3A_58 = tpu.memref_slice %arg4[%dma_start3A_56, %dma_start3A_57] : memref<10000x128xf32, #tpu.memory_space<vmem>> -> memref<1024x128xf32, #tpu.memory_space<vmem>>
    %dma_start3A_59 = arith.constant 6144 : i32
    %dma_start3A_60 = arith.constant 0 : i32
    %dma_start3A_61 = tpu.memref_slice %arg0[%dma_start3A_59, %dma_start3A_60] : memref<10000x128xf32, #tpu.memory_space<any>> -> memref<1024x128xf32, #tpu.memory_space<any>>
    tpu.enqueue_dma source(%dma_start3A_61 : memref<1024x128xf32, #tpu.memory_space<any>>) target(%dma_start3A_58 : memref<1024x128xf32, #tpu.memory_space<vmem>>) target_semaphore(%dma_start3A_55 : memref<!tpu.dma_semaphore, #tpu.memory_space<semaphore_mem>>)
    %dma_start3A_62 = arith.constant 7 : i32
    %dma_start3A_63 = tpu.memref_slice %arg5[%dma_start3A_62] : memref<10x!tpu.dma_semaphore, #tpu.memory_space<semaphore_mem>> -> memref<1x!tpu.dma_semaphore, #tpu.memory_space<semaphore_mem>>
    %dma_start3A_64 = tpu.memref_squeeze %dma_start3A_63 : memref<1x!tpu.dma_semaphore, #tpu.memory_space<semaphore_mem>> -> memref<!tpu.dma_semaphore, #tpu.memory_space<semaphore_mem>>
    %dma_start3A_65 = arith.constant 7168 : i32
    %dma_start3A_66 = arith.constant 0 : i32
    %dma_start3A_67 = tpu.memref_slice %arg4[%dma_start3A_65, %dma_start3A_66] : memref<10000x128xf32, #tpu.memory_space<vmem>> -> memref<1024x128xf32, #tpu.memory_space<vmem>>
    %dma_start3A_68 = arith.constant 7168 : i32
    %dma_start3A_69 = arith.constant 0 : i32
    %dma_start3A_70 = tpu.memref_slice %arg0[%dma_start3A_68, %dma_start3A_69] : memref<10000x128xf32, #tpu.memory_space<any>> -> memref<1024x128xf32, #tpu.memory_space<any>>
    tpu.enqueue_dma source(%dma_start3A_70 : memref<1024x128xf32, #tpu.memory_space<any>>) target(%dma_start3A_67 : memref<1024x128xf32, #tpu.memory_space<vmem>>) target_semaphore(%dma_start3A_64 : memref<!tpu.dma_semaphore, #tpu.memory_space<semaphore_mem>>)
    %dma_start3A_71 = arith.constant 8 : i32
    %dma_start3A_72 = tpu.memref_slice %arg5[%dma_start3A_71] : memref<10x!tpu.dma_semaphore, #tpu.memory_space<semaphore_mem>> -> memref<1x!tpu.dma_semaphore, #tpu.memory_space<semaphore_mem>>
    %dma_start3A_73 = tpu.memref_squeeze %dma_start3A_72 : memref<1x!tpu.dma_semaphore, #tpu.memory_space<semaphore_mem>> -> memref<!tpu.dma_semaphore, #tpu.memory_space<semaphore_mem>>
    %dma_start3A_74 = arith.constant 8192 : i32
    %dma_start3A_75 = arith.constant 0 : i32
    %dma_start3A_76 = tpu.memref_slice %arg4[%dma_start3A_74, %dma_start3A_75] : memref<10000x128xf32, #tpu.memory_space<vmem>> -> memref<1024x128xf32, #tpu.memory_space<vmem>>
    %dma_start3A_77 = arith.constant 8192 : i32
    %dma_start3A_78 = arith.constant 0 : i32
    %dma_start3A_79 = tpu.memref_slice %arg0[%dma_start3A_77, %dma_start3A_78] : memref<10000x128xf32, #tpu.memory_space<any>> -> memref<1024x128xf32, #tpu.memory_space<any>>
    tpu.enqueue_dma source(%dma_start3A_79 : memref<1024x128xf32, #tpu.memory_space<any>>) target(%dma_start3A_76 : memref<1024x128xf32, #tpu.memory_space<vmem>>) target_semaphore(%dma_start3A_73 : memref<!tpu.dma_semaphore, #tpu.memory_space<semaphore_mem>>)
    %dma_start3A_80 = arith.constant 9 : i32
    %dma_start3A_81 = tpu.memref_slice %arg5[%dma_start3A_80] : memref<10x!tpu.dma_semaphore, #tpu.memory_space<semaphore_mem>> -> memref<1x!tpu.dma_semaphore, #tpu.memory_space<semaphore_mem>>
    %dma_start3A_82 = tpu.memref_squeeze %dma_start3A_81 : memref<1x!tpu.dma_semaphore, #tpu.memory_space<semaphore_mem>> -> memref<!tpu.dma_semaphore, #tpu.memory_space<semaphore_mem>>
    %dma_start3A_83 = arith.constant 9216 : i32
    %dma_start3A_84 = arith.constant 0 : i32
    %dma_start3A_85 = tpu.memref_slice %arg4[%dma_start3A_83, %dma_start3A_84] : memref<10000x128xf32, #tpu.memory_space<vmem>> -> memref<784x128xf32, #tpu.memory_space<vmem>>
    %dma_start3A_86 = arith.constant 9216 : i32
    %dma_start3A_87 = arith.constant 0 : i32
    %dma_start3A_88 = tpu.memref_slice %arg0[%dma_start3A_86, %dma_start3A_87] : memref<10000x128xf32, #tpu.memory_space<any>> -> memref<784x128xf32, #tpu.memory_space<any>>
    tpu.enqueue_dma source(%dma_start3A_88 : memref<784x128xf32, #tpu.memory_space<any>>) target(%dma_start3A_85 : memref<784x128xf32, #tpu.memory_space<vmem>>) target_semaphore(%dma_start3A_82 : memref<!tpu.dma_semaphore, #tpu.memory_space<semaphore_mem>>)
    %get3A = arith.constant 0 : index
    %get3A_89 = arith.constant 0 : index
    %get3A_90 = vector.load %arg1[%get3A, %get3A_89] : memref<1x128xf32, #tpu.memory_space<vmem>>, vector<1x128xf32>
    %get3A_91 = arith.constant 0 : index
    %get3A_92 = arith.constant 0 : index
    %get3A_93 = vector.load %arg2[%get3A_91, %get3A_92] : memref<1x1xf32, #tpu.memory_space<vmem>>, vector<1x1xf32>
    %get3A_94 = vector.extract %get3A_93[0, 0] : f32 from vector<1x1xf32>
    %dma_wait3A = arith.constant 0 : i32
    %dma_wait3A_95 = tpu.memref_slice %arg5[%dma_wait3A] : memref<10x!tpu.dma_semaphore, #tpu.memory_space<semaphore_mem>> -> memref<1x!tpu.dma_semaphore, #tpu.memory_space<semaphore_mem>>
    %dma_wait3A_96 = tpu.memref_squeeze %dma_wait3A_95 : memref<1x!tpu.dma_semaphore, #tpu.memory_space<semaphore_mem>> -> memref<!tpu.dma_semaphore, #tpu.memory_space<semaphore_mem>>
    %dma_wait3A_97 = arith.constant 0 : i32
    %dma_wait3A_98 = arith.constant 0 : i32
    %dma_wait3A_99 = tpu.memref_slice %arg4[%dma_wait3A_97, %dma_wait3A_98] : memref<10000x128xf32, #tpu.memory_space<vmem>> -> memref<1024x128xf32, #tpu.memory_space<vmem>>
    %dma_wait3A_100 = arith.constant 0 : i32
    %dma_wait3A_101 = arith.constant 0 : i32
    %dma_wait3A_102 = tpu.memref_slice %arg0[%dma_wait3A_100, %dma_wait3A_101] : memref<10000x128xf32, #tpu.memory_space<any>> -> memref<1024x128xf32, #tpu.memory_space<any>>
    tpu.wait_dma2 semaphore(%dma_wait3A_96 : memref<!tpu.dma_semaphore, #tpu.memory_space<semaphore_mem>>) src(%dma_wait3A_102 : memref<1024x128xf32, #tpu.memory_space<any>>) dst(%dma_wait3A_99 : memref<1024x128xf32, #tpu.memory_space<vmem>>)
    %get3A_103 = arith.constant 0 : index
    %get3A_104 = arith.constant 0 : index
    %get3A_105 = vector.load %arg4[%get3A_103, %get3A_104] : memref<10000x128xf32, #tpu.memory_space<vmem>>, vector<1024x128xf32>
    %max3A = arith.constant 0.000000e+00 : f32
    %max3A_106 = vector.broadcast %max3A : f32 to vector<1024x128xf32>
    %max3A_107 = arith.maximumf %get3A_105, %max3A_106 : vector<1024x128xf32>
    %dot_general3A = arith.constant dense<0.000000e+00> : vector<1024x1xf32>
    %dot_general3A_108 = tpu.matmul %max3A_107, %get3A_90, %dot_general3A {dimension_numbers = #tpu.dot_dimension_numbers<[1], [1], [0], [0], [0, 0, 1, 0], [], []>, transpose_lhs_hint = false} : vector<1024x128xf32>, vector<1x128xf32>, vector<1024x1xf32> -> vector<1024x1xf32>
    %transpose3A = tpu.transpose %dot_general3A_108, [1, 0] : vector<1024x1xf32> -> vector<1x1024xf32>
    %add3A = vector.broadcast %get3A_94 : f32 to vector<1x1024xf32>
    %add3A_109 = arith.addf %transpose3A, %add3A : vector<1x1024xf32>
    %logistic3A = arith.negf %add3A_109 : vector<1x1024xf32>
    %logistic3A_110 = math.exp %logistic3A : vector<1x1024xf32>
    %logistic3A_111 = arith.constant 1.000000e+00 : f32
    %logistic3A_112 = vector.broadcast %logistic3A_111 : f32 to vector<1x1024xf32>
    %logistic3A_113 = arith.addf %logistic3A_112, %logistic3A_110 : vector<1x1024xf32>
    %logistic3A_114 = arith.divf %logistic3A_112, %logistic3A_113 : vector<1x1024xf32>
    %swap3A = arith.constant 0 : index
    %swap3A_115 = arith.constant 0 : index
    %swap3A_116 = vector.load %arg3[%swap3A, %swap3A_115] : memref<1x10000xf32, #tpu.memory_space<vmem>>, vector<1x1024xf32>
    tpu.vector_store %arg3[%swap3A, %swap3A_115], %logistic3A_114 {strides = array<i32>} : memref<1x10000xf32, #tpu.memory_space<vmem>>, vector<1x1024xf32>,
    %dma_wait3A_117 = arith.constant 1 : i32
    %dma_wait3A_118 = tpu.memref_slice %arg5[%dma_wait3A_117] : memref<10x!tpu.dma_semaphore, #tpu.memory_space<semaphore_mem>> -> memref<1x!tpu.dma_semaphore, #tpu.memory_space<semaphore_mem>>
    %dma_wait3A_119 = tpu.memref_squeeze %dma_wait3A_118 : memref<1x!tpu.dma_semaphore, #tpu.memory_space<semaphore_mem>> -> memref<!tpu.dma_semaphore, #tpu.memory_space<semaphore_mem>>
    %dma_wait3A_120 = arith.constant 1024 : i32
    %dma_wait3A_121 = arith.constant 0 : i32
    %dma_wait3A_122 = tpu.memref_slice %arg4[%dma_wait3A_120, %dma_wait3A_121] : memref<10000x128xf32, #tpu.memory_space<vmem>> -> memref<1024x128xf32, #tpu.memory_space<vmem>>
    %dma_wait3A_123 = arith.constant 1024 : i32
    %dma_wait3A_124 = arith.constant 0 : i32
    %dma_wait3A_125 = tpu.memref_slice %arg0[%dma_wait3A_123, %dma_wait3A_124] : memref<10000x128xf32, #tpu.memory_space<any>> -> memref<1024x128xf32, #tpu.memory_space<any>>
    tpu.wait_dma2 semaphore(%dma_wait3A_119 : memref<!tpu.dma_semaphore, #tpu.memory_space<semaphore_mem>>) src(%dma_wait3A_125 : memref<1024x128xf32, #tpu.memory_space<any>>) dst(%dma_wait3A_122 : memref<1024x128xf32, #tpu.memory_space<vmem>>)
    %get3A_126 = arith.constant 1024 : index
    %get3A_127 = arith.constant 0 : index
    %get3A_128 = vector.load %arg4[%get3A_126, %get3A_127] : memref<10000x128xf32, #tpu.memory_space<vmem>>, vector<1024x128xf32>
    %max3A_129 = arith.constant 0.000000e+00 : f32
    %max3A_130 = vector.broadcast %max3A_129 : f32 to vector<1024x128xf32>
    %max3A_131 = arith.maximumf %get3A_128, %max3A_130 : vector<1024x128xf32>
    %dot_general3A_132 = arith.constant dense<0.000000e+00> : vector<1024x1xf32>
    %dot_general3A_133 = tpu.matmul %max3A_131, %get3A_90, %dot_general3A_132 {dimension_numbers = #tpu.dot_dimension_numbers<[1], [1], [0], [0], [0, 0, 1, 0], [], []>, transpose_lhs_hint = false} : vector<1024x128xf32>, vector<1x128xf32>, vector<1024x1xf32> -> vector<1024x1xf32>
    %transpose3A_134 = tpu.transpose %dot_general3A_133, [1, 0] : vector<1024x1xf32> -> vector<1x1024xf32>
    %add3A_135 = vector.broadcast %get3A_94 : f32 to vector<1x1024xf32>
    %add3A_136 = arith.addf %transpose3A_134, %add3A_135 : vector<1x1024xf32>
    %logistic3A_137 = arith.negf %add3A_136 : vector<1x1024xf32>
    %logistic3A_138 = math.exp %logistic3A_137 : vector<1x1024xf32>
    %logistic3A_139 = arith.constant 1.000000e+00 : f32
    %logistic3A_140 = vector.broadcast %logistic3A_139 : f32 to vector<1x1024xf32>
    %logistic3A_141 = arith.addf %logistic3A_140, %logistic3A_138 : vector<1x1024xf32>
    %logistic3A_142 = arith.divf %logistic3A_140, %logistic3A_141 : vector<1x1024xf32>
    %swap3A_143 = arith.constant 0 : index
    %swap3A_144 = arith.constant 1024 : index
    %swap3A_145 = vector.load %arg3[%swap3A_143, %swap3A_144] : memref<1x10000xf32, #tpu.memory_space<vmem>>, vector<1x1024xf32>
    tpu.vector_store %arg3[%swap3A_143, %swap3A_144], %logistic3A_142 {strides = array<i32>} : memref<1x10000xf32, #tpu.memory_space<vmem>>, vector<1x1024xf32>,
    %dma_wait3A_146 = arith.constant 2 : i32
    %dma_wait3A_147 = tpu.memref_slice %arg5[%dma_wait3A_146] : memref<10x!tpu.dma_semaphore, #tpu.memory_space<semaphore_mem>> -> memref<1x!tpu.dma_semaphore, #tpu.memory_space<semaphore_mem>>
    %dma_wait3A_148 = tpu.memref_squeeze %dma_wait3A_147 : memref<1x!tpu.dma_semaphore, #tpu.memory_space<semaphore_mem>> -> memref<!tpu.dma_semaphore, #tpu.memory_space<semaphore_mem>>
    %dma_wait3A_149 = arith.constant 2048 : i32
    %dma_wait3A_150 = arith.constant 0 : i32
    %dma_wait3A_151 = tpu.memref_slice %arg4[%dma_wait3A_149, %dma_wait3A_150] : memref<10000x128xf32, #tpu.memory_space<vmem>> -> memref<1024x128xf32, #tpu.memory_space<vmem>>
    %dma_wait3A_152 = arith.constant 2048 : i32
    %dma_wait3A_153 = arith.constant 0 : i32
    %dma_wait3A_154 = tpu.memref_slice %arg0[%dma_wait3A_152, %dma_wait3A_153] : memref<10000x128xf32, #tpu.memory_space<any>> -> memref<1024x128xf32, #tpu.memory_space<any>>
    tpu.wait_dma2 semaphore(%dma_wait3A_148 : memref<!tpu.dma_semaphore, #tpu.memory_space<semaphore_mem>>) src(%dma_wait3A_154 : memref<1024x128xf32, #tpu.memory_space<any>>) dst(%dma_wait3A_151 : memref<1024x128xf32, #tpu.memory_space<vmem>>)
    %get3A_155 = arith.constant 2048 : index
    %get3A_156 = arith.constant 0 : index
    %get3A_157 = vector.load %arg4[%get3A_155, %get3A_156] : memref<10000x128xf32, #tpu.memory_space<vmem>>, vector<1024x128xf32>
    %max3A_158 = arith.constant 0.000000e+00 : f32
    %max3A_159 = vector.broadcast %max3A_158 : f32 to vector<1024x128xf32>
    %max3A_160 = arith.maximumf %get3A_157, %max3A_159 : vector<1024x128xf32>
    %dot_general3A_161 = arith.constant dense<0.000000e+00> : vector<1024x1xf32>
    %dot_general3A_162 = tpu.matmul %max3A_160, %get3A_90, %dot_general3A_161 {dimension_numbers = #tpu.dot_dimension_numbers<[1], [1], [0], [0], [0, 0, 1, 0], [], []>, transpose_lhs_hint = false} : vector<1024x128xf32>, vector<1x128xf32>, vector<1024x1xf32> -> vector<1024x1xf32>
    %transpose3A_163 = tpu.transpose %dot_general3A_162, [1, 0] : vector<1024x1xf32> -> vector<1x1024xf32>
    %add3A_164 = vector.broadcast %get3A_94 : f32 to vector<1x1024xf32>
    %add3A_165 = arith.addf %transpose3A_163, %add3A_164 : vector<1x1024xf32>
    %logistic3A_166 = arith.negf %add3A_165 : vector<1x1024xf32>
    %logistic3A_167 = math.exp %logistic3A_166 : vector<1x1024xf32>
    %logistic3A_168 = arith.constant 1.000000e+00 : f32
    %logistic3A_169 = vector.broadcast %logistic3A_168 : f32 to vector<1x1024xf32>
    %logistic3A_170 = arith.addf %logistic3A_169, %logistic3A_167 : vector<1x1024xf32>
    %logistic3A_171 = arith.divf %logistic3A_169, %logistic3A_170 : vector<1x1024xf32>
    %swap3A_172 = arith.constant 0 : index
    %swap3A_173 = arith.constant 2048 : index
    %swap3A_174 = vector.load %arg3[%swap3A_172, %swap3A_173] : memref<1x10000xf32, #tpu.memory_space<vmem>>, vector<1x1024xf32>
    tpu.vector_store %arg3[%swap3A_172, %swap3A_173], %logistic3A_171 {strides = array<i32>} : memref<1x10000xf32, #tpu.memory_space<vmem>>, vector<1x1024xf32>,
    %dma_wait3A_175 = arith.constant 3 : i32
    %dma_wait3A_176 = tpu.memref_slice %arg5[%dma_wait3A_175] : memref<10x!tpu.dma_semaphore, #tpu.memory_space<semaphore_mem>> -> memref<1x!tpu.dma_semaphore, #tpu.memory_space<semaphore_mem>>
    %dma_wait3A_177 = tpu.memref_squeeze %dma_wait3A_176 : memref<1x!tpu.dma_semaphore, #tpu.memory_space<semaphore_mem>> -> memref<!tpu.dma_semaphore, #tpu.memory_space<semaphore_mem>>
    %dma_wait3A_178 = arith.constant 3072 : i32
    %dma_wait3A_179 = arith.constant 0 : i32
    %dma_wait3A_180 = tpu.memref_slice %arg4[%dma_wait3A_178, %dma_wait3A_179] : memref<10000x128xf32, #tpu.memory_space<vmem>> -> memref<1024x128xf32, #tpu.memory_space<vmem>>
    %dma_wait3A_181 = arith.constant 3072 : i32
    %dma_wait3A_182 = arith.constant 0 : i32
    %dma_wait3A_183 = tpu.memref_slice %arg0[%dma_wait3A_181, %dma_wait3A_182] : memref<10000x128xf32, #tpu.memory_space<any>> -> memref<1024x128xf32, #tpu.memory_space<any>>
    tpu.wait_dma2 semaphore(%dma_wait3A_177 : memref<!tpu.dma_semaphore, #tpu.memory_space<semaphore_mem>>) src(%dma_wait3A_183 : memref<1024x128xf32, #tpu.memory_space<any>>) dst(%dma_wait3A_180 : memref<1024x128xf32, #tpu.memory_space<vmem>>)
    %get3A_184 = arith.constant 3072 : index
    %get3A_185 = arith.constant 0 : index
    %get3A_186 = vector.load %arg4[%get3A_184, %get3A_185] : memref<10000x128xf32, #tpu.memory_space<vmem>>, vector<1024x128xf32>
    %max3A_187 = arith.constant 0.000000e+00 : f32
    %max3A_188 = vector.broadcast %max3A_187 : f32 to vector<1024x128xf32>
    %max3A_189 = arith.maximumf %get3A_186, %max3A_188 : vector<1024x128xf32>
    %dot_general3A_190 = arith.constant dense<0.000000e+00> : vector<1024x1xf32>
    %dot_general3A_191 = tpu.matmul %max3A_189, %get3A_90, %dot_general3A_190 {dimension_numbers = #tpu.dot_dimension_numbers<[1], [1], [0], [0], [0, 0, 1, 0], [], []>, transpose_lhs_hint = false} : vector<1024x128xf32>, vector<1x128xf32>, vector<1024x1xf32> -> vector<1024x1xf32>
    %transpose3A_192 = tpu.transpose %dot_general3A_191, [1, 0] : vector<1024x1xf32> -> vector<1x1024xf32>
    %add3A_193 = vector.broadcast %get3A_94 : f32 to vector<1x1024xf32>
    %add3A_194 = arith.addf %transpose3A_192, %add3A_193 : vector<1x1024xf32>
    %logistic3A_195 = arith.negf %add3A_194 : vector<1x1024xf32>
    %logistic3A_196 = math.exp %logistic3A_195 : vector<1x1024xf32>
    %logistic3A_197 = arith.constant 1.000000e+00 : f32
    %logistic3A_198 = vector.broadcast %logistic3A_197 : f32 to vector<1x1024xf32>
    %logistic3A_199 = arith.addf %logistic3A_198, %logistic3A_196 : vector<1x1024xf32>
    %logistic3A_200 = arith.divf %logistic3A_198, %logistic3A_199 : vector<1x1024xf32>
    %swap3A_201 = arith.constant 0 : index
    %swap3A_202 = arith.constant 3072 : index
    %swap3A_203 = vector.load %arg3[%swap3A_201, %swap3A_202] : memref<1x10000xf32, #tpu.memory_space<vmem>>, vector<1x1024xf32>
    tpu.vector_store %arg3[%swap3A_201, %swap3A_202], %logistic3A_200 {strides = array<i32>} : memref<1x10000xf32, #tpu.memory_space<vmem>>, vector<1x1024xf32>,
    %dma_wait3A_204 = arith.constant 4 : i32
    %dma_wait3A_205 = tpu.memref_slice %arg5[%dma_wait3A_204] : memref<10x!tpu.dma_semaphore, #tpu.memory_space<semaphore_mem>> -> memref<1x!tpu.dma_semaphore, #tpu.memory_space<semaphore_mem>>
    %dma_wait3A_206 = tpu.memref_squeeze %dma_wait3A_205 : memref<1x!tpu.dma_semaphore, #tpu.memory_space<semaphore_mem>> -> memref<!tpu.dma_semaphore, #tpu.memory_space<semaphore_mem>>
    %dma_wait3A_207 = arith.constant 4096 : i32
    %dma_wait3A_208 = arith.constant 0 : i32
    %dma_wait3A_209 = tpu.memref_slice %arg4[%dma_wait3A_207, %dma_wait3A_208] : memref<10000x128xf32, #tpu.memory_space<vmem>> -> memref<1024x128xf32, #tpu.memory_space<vmem>>
    %dma_wait3A_210 = arith.constant 4096 : i32
    %dma_wait3A_211 = arith.constant 0 : i32
    %dma_wait3A_212 = tpu.memref_slice %arg0[%dma_wait3A_210, %dma_wait3A_211] : memref<10000x128xf32, #tpu.memory_space<any>> -> memref<1024x128xf32, #tpu.memory_space<any>>
    tpu.wait_dma2 semaphore(%dma_wait3A_206 : memref<!tpu.dma_semaphore, #tpu.memory_space<semaphore_mem>>) src(%dma_wait3A_212 : memref<1024x128xf32, #tpu.memory_space<any>>) dst(%dma_wait3A_209 : memref<1024x128xf32, #tpu.memory_space<vmem>>)
    %get3A_213 = arith.constant 4096 : index
    %get3A_214 = arith.constant 0 : index
    %get3A_215 = vector.load %arg4[%get3A_213, %get3A_214] : memref<10000x128xf32, #tpu.memory_space<vmem>>, vector<1024x128xf32>
    %max3A_216 = arith.constant 0.000000e+00 : f32
    %max3A_217 = vector.broadcast %max3A_216 : f32 to vector<1024x128xf32>
    %max3A_218 = arith.maximumf %get3A_215, %max3A_217 : vector<1024x128xf32>
    %dot_general3A_219 = arith.constant dense<0.000000e+00> : vector<1024x1xf32>
    %dot_general3A_220 = tpu.matmul %max3A_218, %get3A_90, %dot_general3A_219 {dimension_numbers = #tpu.dot_dimension_numbers<[1], [1], [0], [0], [0, 0, 1, 0], [], []>, transpose_lhs_hint = false} : vector<1024x128xf32>, vector<1x128xf32>, vector<1024x1xf32> -> vector<1024x1xf32>
    %transpose3A_221 = tpu.transpose %dot_general3A_220, [1, 0] : vector<1024x1xf32> -> vector<1x1024xf32>
    %add3A_222 = vector.broadcast %get3A_94 : f32 to vector<1x1024xf32>
    %add3A_223 = arith.addf %transpose3A_221, %add3A_222 : vector<1x1024xf32>
    %logistic3A_224 = arith.negf %add3A_223 : vector<1x1024xf32>
    %logistic3A_225 = math.exp %logistic3A_224 : vector<1x1024xf32>
    %logistic3A_226 = arith.constant 1.000000e+00 : f32
    %logistic3A_227 = vector.broadcast %logistic3A_226 : f32 to vector<1x1024xf32>
    %logistic3A_228 = arith.addf %logistic3A_227, %logistic3A_225 : vector<1x1024xf32>
    %logistic3A_229 = arith.divf %logistic3A_227, %logistic3A_228 : vector<1x1024xf32>
    %swap3A_230 = arith.constant 0 : index
    %swap3A_231 = arith.constant 4096 : index
    %swap3A_232 = vector.load %arg3[%swap3A_230, %swap3A_231] : memref<1x10000xf32, #tpu.memory_space<vmem>>, vector<1x1024xf32>
    tpu.vector_store %arg3[%swap3A_230, %swap3A_231], %logistic3A_229 {strides = array<i32>} : memref<1x10000xf32, #tpu.memory_space<vmem>>, vector<1x1024xf32>,
    %dma_wait3A_233 = arith.constant 5 : i32
    %dma_wait3A_234 = tpu.memref_slice %arg5[%dma_wait3A_233] : memref<10x!tpu.dma_semaphore, #tpu.memory_space<semaphore_mem>> -> memref<1x!tpu.dma_semaphore, #tpu.memory_space<semaphore_mem>>
    %dma_wait3A_235 = tpu.memref_squeeze %dma_wait3A_234 : memref<1x!tpu.dma_semaphore, #tpu.memory_space<semaphore_mem>> -> memref<!tpu.dma_semaphore, #tpu.memory_space<semaphore_mem>>
    %dma_wait3A_236 = arith.constant 5120 : i32
    %dma_wait3A_237 = arith.constant 0 : i32
    %dma_wait3A_238 = tpu.memref_slice %arg4[%dma_wait3A_236, %dma_wait3A_237] : memref<10000x128xf32, #tpu.memory_space<vmem>> -> memref<1024x128xf32, #tpu.memory_space<vmem>>
    %dma_wait3A_239 = arith.constant 5120 : i32
    %dma_wait3A_240 = arith.constant 0 : i32
    %dma_wait3A_241 = tpu.memref_slice %arg0[%dma_wait3A_239, %dma_wait3A_240] : memref<10000x128xf32, #tpu.memory_space<any>> -> memref<1024x128xf32, #tpu.memory_space<any>>
    tpu.wait_dma2 semaphore(%dma_wait3A_235 : memref<!tpu.dma_semaphore, #tpu.memory_space<semaphore_mem>>) src(%dma_wait3A_241 : memref<1024x128xf32, #tpu.memory_space<any>>) dst(%dma_wait3A_238 : memref<1024x128xf32, #tpu.memory_space<vmem>>)
    %get3A_242 = arith.constant 5120 : index
    %get3A_243 = arith.constant 0 : index
    %get3A_244 = vector.load %arg4[%get3A_242, %get3A_243] : memref<10000x128xf32, #tpu.memory_space<vmem>>, vector<1024x128xf32>
    %max3A_245 = arith.constant 0.000000e+00 : f32
    %max3A_246 = vector.broadcast %max3A_245 : f32 to vector<1024x128xf32>
    %max3A_247 = arith.maximumf %get3A_244, %max3A_246 : vector<1024x128xf32>
    %dot_general3A_248 = arith.constant dense<0.000000e+00> : vector<1024x1xf32>
    %dot_general3A_249 = tpu.matmul %max3A_247, %get3A_90, %dot_general3A_248 {dimension_numbers = #tpu.dot_dimension_numbers<[1], [1], [0], [0], [0, 0, 1, 0], [], []>, transpose_lhs_hint = false} : vector<1024x128xf32>, vector<1x128xf32>, vector<1024x1xf32> -> vector<1024x1xf32>
    %transpose3A_250 = tpu.transpose %dot_general3A_249, [1, 0] : vector<1024x1xf32> -> vector<1x1024xf32>
    %add3A_251 = vector.broadcast %get3A_94 : f32 to vector<1x1024xf32>
    %add3A_252 = arith.addf %transpose3A_250, %add3A_251 : vector<1x1024xf32>
    %logistic3A_253 = arith.negf %add3A_252 : vector<1x1024xf32>
    %logistic3A_254 = math.exp %logistic3A_253 : vector<1x1024xf32>
    %logistic3A_255 = arith.constant 1.000000e+00 : f32
    %logistic3A_256 = vector.broadcast %logistic3A_255 : f32 to vector<1x1024xf32>
    %logistic3A_257 = arith.addf %logistic3A_256, %logistic3A_254 : vector<1x1024xf32>
    %logistic3A_258 = arith.divf %logistic3A_256, %logistic3A_257 : vector<1x1024xf32>
    %swap3A_259 = arith.constant 0 : index
    %swap3A_260 = arith.constant 5120 : index
    %swap3A_261 = vector.load %arg3[%swap3A_259, %swap3A_260] : memref<1x10000xf32, #tpu.memory_space<vmem>>, vector<1x1024xf32>
    tpu.vector_store %arg3[%swap3A_259, %swap3A_260], %logistic3A_258 {strides = array<i32>} : memref<1x10000xf32, #tpu.memory_space<vmem>>, vector<1x1024xf32>,
    %dma_wait3A_262 = arith.constant 6 : i32
    %dma_wait3A_263 = tpu.memref_slice %arg5[%dma_wait3A_262] : memref<10x!tpu.dma_semaphore, #tpu.memory_space<semaphore_mem>> -> memref<1x!tpu.dma_semaphore, #tpu.memory_space<semaphore_mem>>
    %dma_wait3A_264 = tpu.memref_squeeze %dma_wait3A_263 : memref<1x!tpu.dma_semaphore, #tpu.memory_space<semaphore_mem>> -> memref<!tpu.dma_semaphore, #tpu.memory_space<semaphore_mem>>
    %dma_wait3A_265 = arith.constant 6144 : i32
    %dma_wait3A_266 = arith.constant 0 : i32
    %dma_wait3A_267 = tpu.memref_slice %arg4[%dma_wait3A_265, %dma_wait3A_266] : memref<10000x128xf32, #tpu.memory_space<vmem>> -> memref<1024x128xf32, #tpu.memory_space<vmem>>
    %dma_wait3A_268 = arith.constant 6144 : i32
    %dma_wait3A_269 = arith.constant 0 : i32
    %dma_wait3A_270 = tpu.memref_slice %arg0[%dma_wait3A_268, %dma_wait3A_269] : memref<10000x128xf32, #tpu.memory_space<any>> -> memref<1024x128xf32, #tpu.memory_space<any>>
    tpu.wait_dma2 semaphore(%dma_wait3A_264 : memref<!tpu.dma_semaphore, #tpu.memory_space<semaphore_mem>>) src(%dma_wait3A_270 : memref<1024x128xf32, #tpu.memory_space<any>>) dst(%dma_wait3A_267 : memref<1024x128xf32, #tpu.memory_space<vmem>>)
    %get3A_271 = arith.constant 6144 : index
    %get3A_272 = arith.constant 0 : index
    %get3A_273 = vector.load %arg4[%get3A_271, %get3A_272] : memref<10000x128xf32, #tpu.memory_space<vmem>>, vector<1024x128xf32>
    %max3A_274 = arith.constant 0.000000e+00 : f32
    %max3A_275 = vector.broadcast %max3A_274 : f32 to vector<1024x128xf32>
    %max3A_276 = arith.maximumf %get3A_273, %max3A_275 : vector<1024x128xf32>
    %dot_general3A_277 = arith.constant dense<0.000000e+00> : vector<1024x1xf32>
    %dot_general3A_278 = tpu.matmul %max3A_276, %get3A_90, %dot_general3A_277 {dimension_numbers = #tpu.dot_dimension_numbers<[1], [1], [0], [0], [0, 0, 1, 0], [], []>, transpose_lhs_hint = false} : vector<1024x128xf32>, vector<1x128xf32>, vector<1024x1xf32> -> vector<1024x1xf32>
    %transpose3A_279 = tpu.transpose %dot_general3A_278, [1, 0] : vector<1024x1xf32> -> vector<1x1024xf32>
    %add3A_280 = vector.broadcast %get3A_94 : f32 to vector<1x1024xf32>
    %add3A_281 = arith.addf %transpose3A_279, %add3A_280 : vector<1x1024xf32>
    %logistic3A_282 = arith.negf %add3A_281 : vector<1x1024xf32>
    %logistic3A_283 = math.exp %logistic3A_282 : vector<1x1024xf32>
    %logistic3A_284 = arith.constant 1.000000e+00 : f32
    %logistic3A_285 = vector.broadcast %logistic3A_284 : f32 to vector<1x1024xf32>
    %logistic3A_286 = arith.addf %logistic3A_285, %logistic3A_283 : vector<1x1024xf32>
    %logistic3A_287 = arith.divf %logistic3A_285, %logistic3A_286 : vector<1x1024xf32>
    %swap3A_288 = arith.constant 0 : index
    %swap3A_289 = arith.constant 6144 : index
    %swap3A_290 = vector.load %arg3[%swap3A_288, %swap3A_289] : memref<1x10000xf32, #tpu.memory_space<vmem>>, vector<1x1024xf32>
    tpu.vector_store %arg3[%swap3A_288, %swap3A_289], %logistic3A_287 {strides = array<i32>} : memref<1x10000xf32, #tpu.memory_space<vmem>>, vector<1x1024xf32>,
    %dma_wait3A_291 = arith.constant 7 : i32
    %dma_wait3A_292 = tpu.memref_slice %arg5[%dma_wait3A_291] : memref<10x!tpu.dma_semaphore, #tpu.memory_space<semaphore_mem>> -> memref<1x!tpu.dma_semaphore, #tpu.memory_space<semaphore_mem>>
    %dma_wait3A_293 = tpu.memref_squeeze %dma_wait3A_292 : memref<1x!tpu.dma_semaphore, #tpu.memory_space<semaphore_mem>> -> memref<!tpu.dma_semaphore, #tpu.memory_space<semaphore_mem>>
    %dma_wait3A_294 = arith.constant 7168 : i32
    %dma_wait3A_295 = arith.constant 0 : i32
    %dma_wait3A_296 = tpu.memref_slice %arg4[%dma_wait3A_294, %dma_wait3A_295] : memref<10000x128xf32, #tpu.memory_space<vmem>> -> memref<1024x128xf32, #tpu.memory_space<vmem>>
    %dma_wait3A_297 = arith.constant 7168 : i32
    %dma_wait3A_298 = arith.constant 0 : i32
    %dma_wait3A_299 = tpu.memref_slice %arg0[%dma_wait3A_297, %dma_wait3A_298] : memref<10000x128xf32, #tpu.memory_space<any>> -> memref<1024x128xf32, #tpu.memory_space<any>>
    tpu.wait_dma2 semaphore(%dma_wait3A_293 : memref<!tpu.dma_semaphore, #tpu.memory_space<semaphore_mem>>) src(%dma_wait3A_299 : memref<1024x128xf32, #tpu.memory_space<any>>) dst(%dma_wait3A_296 : memref<1024x128xf32, #tpu.memory_space<vmem>>)
    %get3A_300 = arith.constant 7168 : index
    %get3A_301 = arith.constant 0 : index
    %get3A_302 = vector.load %arg4[%get3A_300, %get3A_301] : memref<10000x128xf32, #tpu.memory_space<vmem>>, vector<1024x128xf32>
    %max3A_303 = arith.constant 0.000000e+00 : f32
    %max3A_304 = vector.broadcast %max3A_303 : f32 to vector<1024x128xf32>
    %max3A_305 = arith.maximumf %get3A_302, %max3A_304 : vector<1024x128xf32>
    %dot_general3A_306 = arith.constant dense<0.000000e+00> : vector<1024x1xf32>
    %dot_general3A_307 = tpu.matmul %max3A_305, %get3A_90, %dot_general3A_306 {dimension_numbers = #tpu.dot_dimension_numbers<[1], [1], [0], [0], [0, 0, 1, 0], [], []>, transpose_lhs_hint = false} : vector<1024x128xf32>, vector<1x128xf32>, vector<1024x1xf32> -> vector<1024x1xf32>
    %transpose3A_308 = tpu.transpose %dot_general3A_307, [1, 0] : vector<1024x1xf32> -> vector<1x1024xf32>
    %add3A_309 = vector.broadcast %get3A_94 : f32 to vector<1x1024xf32>
    %add3A_310 = arith.addf %transpose3A_308, %add3A_309 : vector<1x1024xf32>
    %logistic3A_311 = arith.negf %add3A_310 : vector<1x1024xf32>
    %logistic3A_312 = math.exp %logistic3A_311 : vector<1x1024xf32>
    %logistic3A_313 = arith.constant 1.000000e+00 : f32
    %logistic3A_314 = vector.broadcast %logistic3A_313 : f32 to vector<1x1024xf32>
    %logistic3A_315 = arith.addf %logistic3A_314, %logistic3A_312 : vector<1x1024xf32>
    %logistic3A_316 = arith.divf %logistic3A_314, %logistic3A_315 : vector<1x1024xf32>
    %swap3A_317 = arith.constant 0 : index
    %swap3A_318 = arith.constant 7168 : index
    %swap3A_319 = vector.load %arg3[%swap3A_317, %swap3A_318] : memref<1x10000xf32, #tpu.memory_space<vmem>>, vector<1x1024xf32>
    tpu.vector_store %arg3[%swap3A_317, %swap3A_318], %logistic3A_316 {strides = array<i32>} : memref<1x10000xf32, #tpu.memory_space<vmem>>, vector<1x1024xf32>,
    %dma_wait3A_320 = arith.constant 8 : i32
    %dma_wait3A_321 = tpu.memref_slice %arg5[%dma_wait3A_320] : memref<10x!tpu.dma_semaphore, #tpu.memory_space<semaphore_mem>> -> memref<1x!tpu.dma_semaphore, #tpu.memory_space<semaphore_mem>>
    %dma_wait3A_322 = tpu.memref_squeeze %dma_wait3A_321 : memref<1x!tpu.dma_semaphore, #tpu.memory_space<semaphore_mem>> -> memref<!tpu.dma_semaphore, #tpu.memory_space<semaphore_mem>>
    %dma_wait3A_323 = arith.constant 8192 : i32
    %dma_wait3A_324 = arith.constant 0 : i32
    %dma_wait3A_325 = tpu.memref_slice %arg4[%dma_wait3A_323, %dma_wait3A_324] : memref<10000x128xf32, #tpu.memory_space<vmem>> -> memref<1024x128xf32, #tpu.memory_space<vmem>>
    %dma_wait3A_326 = arith.constant 8192 : i32
    %dma_wait3A_327 = arith.constant 0 : i32
    %dma_wait3A_328 = tpu.memref_slice %arg0[%dma_wait3A_326, %dma_wait3A_327] : memref<10000x128xf32, #tpu.memory_space<any>> -> memref<1024x128xf32, #tpu.memory_space<any>>
    tpu.wait_dma2 semaphore(%dma_wait3A_322 : memref<!tpu.dma_semaphore, #tpu.memory_space<semaphore_mem>>) src(%dma_wait3A_328 : memref<1024x128xf32, #tpu.memory_space<any>>) dst(%dma_wait3A_325 : memref<1024x128xf32, #tpu.memory_space<vmem>>)
    %get3A_329 = arith.constant 8192 : index
    %get3A_330 = arith.constant 0 : index
    %get3A_331 = vector.load %arg4[%get3A_329, %get3A_330] : memref<10000x128xf32, #tpu.memory_space<vmem>>, vector<1024x128xf32>
    %max3A_332 = arith.constant 0.000000e+00 : f32
    %max3A_333 = vector.broadcast %max3A_332 : f32 to vector<1024x128xf32>
    %max3A_334 = arith.maximumf %get3A_331, %max3A_333 : vector<1024x128xf32>
    %dot_general3A_335 = arith.constant dense<0.000000e+00> : vector<1024x1xf32>
    %dot_general3A_336 = tpu.matmul %max3A_334, %get3A_90, %dot_general3A_335 {dimension_numbers = #tpu.dot_dimension_numbers<[1], [1], [0], [0], [0, 0, 1, 0], [], []>, transpose_lhs_hint = false} : vector<1024x128xf32>, vector<1x128xf32>, vector<1024x1xf32> -> vector<1024x1xf32>
    %transpose3A_337 = tpu.transpose %dot_general3A_336, [1, 0] : vector<1024x1xf32> -> vector<1x1024xf32>
    %add3A_338 = vector.broadcast %get3A_94 : f32 to vector<1x1024xf32>
    %add3A_339 = arith.addf %transpose3A_337, %add3A_338 : vector<1x1024xf32>
    %logistic3A_340 = arith.negf %add3A_339 : vector<1x1024xf32>
    %logistic3A_341 = math.exp %logistic3A_340 : vector<1x1024xf32>
    %logistic3A_342 = arith.constant 1.000000e+00 : f32
    %logistic3A_343 = vector.broadcast %logistic3A_342 : f32 to vector<1x1024xf32>
    %logistic3A_344 = arith.addf %logistic3A_343, %logistic3A_341 : vector<1x1024xf32>
    %logistic3A_345 = arith.divf %logistic3A_343, %logistic3A_344 : vector<1x1024xf32>
    %swap3A_346 = arith.constant 0 : index
    %swap3A_347 = arith.constant 8192 : index
    %swap3A_348 = vector.load %arg3[%swap3A_346, %swap3A_347] : memref<1x10000xf32, #tpu.memory_space<vmem>>, vector<1x1024xf32>
    tpu.vector_store %arg3[%swap3A_346, %swap3A_347], %logistic3A_345 {strides = array<i32>} : memref<1x10000xf32, #tpu.memory_space<vmem>>, vector<1x1024xf32>,
    %dma_wait3A_349 = arith.constant 9 : i32
    %dma_wait3A_350 = tpu.memref_slice %arg5[%dma_wait3A_349] : memref<10x!tpu.dma_semaphore, #tpu.memory_space<semaphore_mem>> -> memref<1x!tpu.dma_semaphore, #tpu.memory_space<semaphore_mem>>
    %dma_wait3A_351 = tpu.memref_squeeze %dma_wait3A_350 : memref<1x!tpu.dma_semaphore, #tpu.memory_space<semaphore_mem>> -> memref<!tpu.dma_semaphore, #tpu.memory_space<semaphore_mem>>
    %dma_wait3A_352 = arith.constant 9216 : i32
    %dma_wait3A_353 = arith.constant 0 : i32
    %dma_wait3A_354 = tpu.memref_slice %arg4[%dma_wait3A_352, %dma_wait3A_353] : memref<10000x128xf32, #tpu.memory_space<vmem>> -> memref<784x128xf32, #tpu.memory_space<vmem>>
    %dma_wait3A_355 = arith.constant 9216 : i32
    %dma_wait3A_356 = arith.constant 0 : i32
    %dma_wait3A_357 = tpu.memref_slice %arg0[%dma_wait3A_355, %dma_wait3A_356] : memref<10000x128xf32, #tpu.memory_space<any>> -> memref<784x128xf32, #tpu.memory_space<any>>
    tpu.wait_dma2 semaphore(%dma_wait3A_351 : memref<!tpu.dma_semaphore, #tpu.memory_space<semaphore_mem>>) src(%dma_wait3A_357 : memref<784x128xf32, #tpu.memory_space<any>>) dst(%dma_wait3A_354 : memref<784x128xf32, #tpu.memory_space<vmem>>)
    %get3A_358 = arith.constant 9216 : index
    %get3A_359 = arith.constant 0 : index
    %get3A_360 = vector.load %arg4[%get3A_358, %get3A_359] : memref<10000x128xf32, #tpu.memory_space<vmem>>, vector<784x128xf32>
    %max3A_361 = arith.constant 0.000000e+00 : f32
    %max3A_362 = vector.broadcast %max3A_361 : f32 to vector<784x128xf32>
    %max3A_363 = arith.maximumf %get3A_360, %max3A_362 : vector<784x128xf32>
    %dot_general3A_364 = arith.constant dense<0.000000e+00> : vector<784x1xf32>
    %dot_general3A_365 = tpu.matmul %max3A_363, %get3A_90, %dot_general3A_364 {dimension_numbers = #tpu.dot_dimension_numbers<[1], [1], [0], [0], [0, 0, 1, 0], [], []>, transpose_lhs_hint = false} : vector<784x128xf32>, vector<1x128xf32>, vector<784x1xf32> -> vector<784x1xf32>
    %transpose3A_366 = tpu.transpose %dot_general3A_365, [1, 0] : vector<784x1xf32> -> vector<1x784xf32>
    %add3A_367 = vector.broadcast %get3A_94 : f32 to vector<1x784xf32>
    %add3A_368 = arith.addf %transpose3A_366, %add3A_367 : vector<1x784xf32>
    %logistic3A_369 = arith.negf %add3A_368 : vector<1x784xf32>
    %logistic3A_370 = math.exp %logistic3A_369 : vector<1x784xf32>
    %logistic3A_371 = arith.constant 1.000000e+00 : f32
    %logistic3A_372 = vector.broadcast %logistic3A_371 : f32 to vector<1x784xf32>
    %logistic3A_373 = arith.addf %logistic3A_372, %logistic3A_370 : vector<1x784xf32>
    %logistic3A_374 = arith.divf %logistic3A_372, %logistic3A_373 : vector<1x784xf32>
    %swap3A_375 = arith.constant 0 : index
    %swap3A_376 = arith.constant 9216 : index
    %swap3A_377 = vector.load %arg3[%swap3A_375, %swap3A_376] : memref<1x10000xf32, #tpu.memory_space<vmem>>, vector<1x784xf32>
    tpu.vector_store %arg3[%swap3A_375, %swap3A_376], %logistic3A_374 {strides = array<i32>} : memref<1x10000xf32, #tpu.memory_space<vmem>>, vector<1x784xf32>,
    return
  }
}

</mosaic_0001>

<sc_bundles>
// kernel: kernel.5.cloned.1.call-start
scs
__scs_entry_jumppad:
0x0: {  	(pc) =	sbr.rel $0x88, $3  }
0x1: {  	(tag) =	ssettag $0x0;
	lr =	simm.s32 $0x1  }
0x2: {  	[smem:$0x3F9D] =	sst lr;
	_ =	strace $0xD0000000  }
0x3: {  	_ = 	snop  }
0x4: {  	_ = 	snop  }
0x5: {  	_ = 	snop  }
0x6: {  	_ = 	snop  }
0x7: {  	_ = 	snop  }
__scs_overlays_trampoline_lowered:
0x8: {  	[smem:$0x3FAC] =	sst s0  }
0x9: {  	[smem:$0x3FAD] =	sst s1  }
0xa: {  	[smem:$0x3FAE] =	sst s2  }
0xb: {  	[smem:$0x3FAF] =	sst s3  }
0xc: {  	[smem:$0x3FB0] =	sst s4  }
0xd: {  	[smem:$0x3FB1] =	sst s5  }
0xe: {  	[smem:$0x3FB2] =	sst s6  }
0xf: {  	[smem:$0x3FB3] =	sst s7  }
0x10: {  	[smem:$0x3FB4] =	sst s8  }
0x11: {  	[smem:$0x3FB5] =	sst s9;
	s0 =	simm.s32 @!p0 $0x0  }
0x12: {  	s1 =	sld [smem:$0x3F9B];
	s0 =	simm.s32 @p0 $0x1  }
0x13: {  	[smem:$0x3FB6] =	sst s0;
	s0 =	simm.s32 @!p1 $0x0  }
0x14: {  	s2 =	sld [smem:$0x3F9A];
	s0 =	simm.s32 @p1 $0x1  }
0x15: {  	[smem:$0x3FB7] =	sst s0;
	s0 =	simm.s32 @!p2 $0x0  }
0x16: {  	s3 =	sld [smem:$0x3FDB];
	s0 =	simm.s32 @p2 $0x1  }
0x17: {  	s4 =	simm.s32 $0x1BF5;
	[smem:$0x3FB9] =	sst s0  }
0x18: {  	s0 =	sld [smem:$0x3F9C];
	_ =	swait.ge [sflag:s4], $0x0  }
0x19: {  	s7 =	sld [smem:$0x3F9D]  }
0x1a: {  	s8 =	sadd.s32 $0xFFFFE003, lr  }
0x1b: {  	s9 =	sadd.s32 $0xFFFFFEF7, lr;
	s5 =	simm.s32 $0xFFFFFFFF;
	p2 =	slt.u32 s8, $0xFFFFF086  }
0x1c: {  	p1 =	slt.u32 s9, $0xF7A;
	s5 =	simm.s32 @!p2 $0x0  }
0x1d: {  	s5 =	simm.s32 @p1 $0x1;
	p0 =	seq.s32 s7, s2  }
0x1e: {  	s7 =	smul.u32 @!p0 $0xF7A, s2;
	p2 =	seq.s32 @!p0 s5, $0x0  }
0x1f: {  	s9 =	smul.u32 $0xF7A, s1;
	s8 =	simm.s32 @!p0 $0x1BF5;
	p2 =	por !p2, p0  }
0x20: {  	[sflag:s8] =	ssyncset.s32 @!p0 $0xFFFFF086;
	s6 =	sadd.s32 @!p0 s3, s7;
	s7 =	simm.s32 @!p0 $0x108  }
0x21: {  	s3 =	sadd.s32 s3, s9;
	s6 =	sadd.s32 @!p0 $0x88, s6;
	s7 =	simm.s32 @p2 $0x1082  }
0x22: {  	[simem:s7], [sflag:s8] =	dma.local @!p0 [hbm:s6], $0xF7A  }
0x23: {  	s9 =	sor.u32 $0xD0000000, s2;
	s6 =	simm.s32 $0x108;
	_ =	swait.ge @!p0 [sflag:s8], $0x0  }
0x24: {  	s3 =	sadd.s32 $0x88, s3;
	s6 =	simm.s32 @!p1 $0x1082;
	[sflag:s4] =	ssyncset.s32 $0xFFFFF086  }
0x25: {  	[simem:s6], [sflag:s4] =	dma.local [hbm:s3], $0xF7A  }
0x26: {  	[smem:$0x3F9D] =	sst s1;
	(tag) =	ssettag s2;
	_ =	strace s9  }
0x27: {  	s1 =	sld [smem:$0x3FAD]  }
0x28: {  	s2 =	sld [smem:$0x3FAE]  }
0x29: {  	s4 =	sld [smem:$0x3FB0]  }
0x2a: {  	p0 =	seq.s32 s5, $0x0;
	s5 =	sld [smem:$0x3FB1]  }
0x2b: {  	s6 =	sld [smem:$0x3FB2]  }
0x2c: {  	s7 =	sld [smem:$0x3FB3]  }
0x2d: {  	s3 =	simm.s32 $0x108;
	s8 =	sld [smem:$0x3FB4]  }
0x2e: {  	s3 =	simm.s32 @!p0 $0x1082;
	s9 =	sld [smem:$0x3FB5]  }
0x2f: {  	lr =	sadd.s32 s0, s3;
	s0 =	sld [smem:$0x3FAC]  }
0x30: {  	s3 =	sld [smem:$0x3FAF]  }
0x31: {  	[smem:$0x3FB8] =	sst s10  }
0x32: {  	s10 =	sld [smem:$0x3FB6];
	_ =	sdelay $0x3  }
0x33: {  	p0 =	seq.s32 s10, $0x1;
	s10 =	sld [smem:$0x3FB8];
	_ =	sdelay $0x3  }
0x34: {  	[smem:$0x3FB8] =	sst s10  }
0x35: {  	s10 =	sld [smem:$0x3FB7];
	_ =	sdelay $0x3  }
0x36: {  	p1 =	seq.s32 s10, $0x1;
	s10 =	sld [smem:$0x3FB8];
	_ =	sdelay $0x3  }
0x37: {  	[smem:$0x3FB8] =	sst s10  }
0x38: {  	s10 =	sld [smem:$0x3FB9]  }
0x39: {  	_ = 	snop;
	(pc) =	sbr.ind lr, $3  }
0x3a: {  	_ = 	snop  }
0x3b: {  	_ = 	snop  }
0x3c: {  	p2 =	seq.s32 s10, $0x1;
	s10 =	sld [smem:$0x3FB8]  }
0x3d: {  	_ =	shalt  }
0x3e: {  	_ =	shalt  }
0x3f: {  	_ =	shalt  }
0x40: {  	_ =	shalt  }
0x41: {  	_ =	shalt  }
0x42: {  	_ =	shalt  }
0x43: {  	_ =	shalt  }
0x44: {  	_ =	shalt  }
0x45: {  	_ =	shalt  }
0x46: {  	_ =	shalt  }
0x47: {  	_ =	shalt  }
0x48: {  	_ =	shalt  }
0x49: {  	_ =	shalt  }
0x4a: {  	_ =	shalt  }
0x4b: {  	_ =	shalt  }
0x4c: {  	_ =	shalt  }
0x4d: {  	_ =	shalt  }
0x4e: {  	_ =	shalt  }
0x4f: {  	_ =	shalt  }
0x50: {  	_ =	shalt  }
0x51: {  	_ =	shalt  }
0x52: {  	_ =	shalt  }
0x53: {  	_ =	shalt  }
0x54: {  	_ =	shalt  }
0x55: {  	_ =	shalt  }
0x56: {  	_ =	shalt  }
0x57: {  	_ =	shalt  }
0x58: {  	_ =	shalt  }
0x59: {  	_ =	shalt  }
0x5a: {  	_ =	shalt  }
0x5b: {  	_ =	shalt  }
0x5c: {  	_ =	shalt  }
0x5d: {  	_ =	shalt  }
0x5e: {  	_ =	shalt  }
0x5f: {  	_ =	shalt  }
0x60: {  	_ =	shalt  }
0x61: {  	_ =	shalt  }
0x62: {  	_ =	shalt  }
0x63: {  	_ =	shalt  }
0x64: {  	_ =	shalt  }
0x65: {  	_ =	shalt  }
0x66: {  	_ =	shalt  }
0x67: {  	_ =	shalt  }
0x68: {  	_ =	shalt  }
0x69: {  	_ =	shalt  }
0x6a: {  	_ =	shalt  }
0x6b: {  	_ =	shalt  }
0x6c: {  	_ =	shalt  }
0x6d: {  	_ =	shalt  }
0x6e: {  	_ =	shalt  }
0x6f: {  	_ =	shalt  }
0x70: {  	_ =	shalt  }
0x71: {  	_ =	shalt  }
0x72: {  	_ =	shalt  }
0x73: {  	_ =	shalt  }
0x74: {  	_ =	shalt  }
0x75: {  	_ =	shalt  }
0x76: {  	_ =	shalt  }
0x77: {  	_ =	shalt  }
0x78: {  	_ =	shalt  }
0x79: {  	_ =	shalt  }
0x7a: {  	_ =	shalt  }
0x7b: {  	_ =	shalt  }
0x7c: {  	_ =	shalt  }
0x7d: {  	_ =	shalt  }
0x7e: {  	_ =	shalt  }
0x7f: {  	_ =	shalt  }
0x80: {  	_ =	shalt  }
0x81: {  	_ =	shalt  }
0x82: {  	_ =	shalt  }
0x83: {  	_ =	shalt  }
0x84: {  	_ =	shalt  }
0x85: {  	_ =	shalt  }
0x86: {  	_ =	shalt  }
0x87: {  	_ =	shalt  }
.Lfunc_end0:
.L_simem_size_0:
called_computation_lowered:
.L_overlay_start_0:
0x88: {  	s0 =	sld [smem:$0x3FD9]  }
0x89: {  	s1 =	sld [smem:$0x3FFE];
	_ =	sdelay $0x3  }
0x8a: {  	s0 =	sadd.s32 s1, s0  }
0x8b: {  	[smem:$0x3FC4] =	sst s0  }
0x8c: {  	_ = 	snop  }
0x8d: {  	s0 =	sld [smem:$0x3FC9]  }
0x8e: {  	s16 =	sld [smem:$0x3FD0];
	(tm) =	ssettm $0x1  }
0x8f: {  	s2 =	sld [smem:$0x3FFB];
	_ =	sdelay $0x3  }
0x90: {  	_ =	strace s2  }
0x91: {  	s2 =	sld [smem:$0x3FFC];
	_ =	sdelay $0x3  }
0x92: {  	_ =	strace s2  }
0x93: {  	s2 =	sld [smem:$0x3FFD];
	_ =	sdelay $0x3  }
0x94: {  	_ =	strace s2  }
0x95: {  	_ =	strace $0x8FFFFFFF  }
0x96: {  	s17 =	sld [smem:$0x3FDB];
	_ =	sdelay $0x1  }
0x97: {  	s3 =	simm.s32 $_scs_section_size  }
0x98: {  	s4 =	simm.s32 $_size__tile_overlayer_lowered;
	s5 =	simm.s32 $_tile_overlayer_lowered  }
0x99: {  	s20 =	simm.s32 $0x1BFF;
	s19 =	sshll.u32 s5, $0x1;
	s2 =	sadd.s32 s3, s17  }
0x9a: {  	s6 =	simm.s32 $0x0;
	s18 =	sshll.u32 s4, $0x1;
	s4 =	sadd.s32 s19, s2  }
0x9b: {  	[timem:s6], [sflag:s20] =	dma.local [hbm:s4], s18  }
0x9c: {  	_ =	swait.ge [sflag:s20], s18  }
0x9d: {  	s3 =	ssub.s32 $0x0, s18;
	[sflag:s20] =	ssyncset.done $0x0  }
0x9e: {  	[sflag:s20] =	ssyncadd.s32 s3;
	_ =	sdelay $0x1  }
0x9f: {  	s21 =	simm.s32 $0x1B8B  }
0xa0: {  	_ =	swait.ge [sflag:s21], $0x1  }
0xa1: {  	[sflag:s21] =	ssyncset.done $0x0  }
0xa2: {  	s23 =	simm.s32 $0x1B8E;
	s22 =	sld [smem:$0x3FFE];
	[sflag:s21] =	ssyncadd.s32 $0xFFFFFFFF  }
0xa3: {  	s24 =	simm.s32 $execute0_lowered;
	[smem:$0x3FD2] =	sst s23  }
0xa4: {  	s4 =	sshll.u32 s24, $0x1;
	_ =	strace $0x80000046;
	[dreg:$0x1] =	wrdreg $0xFFFFFFFF  }
0xa5: {  	s25 =	simm.s32 $_size_execute0_lowered;
	s2 =	sadd.s32 s2, s4;
	[dreg:$0x0] =	wrdreg $0x0  }
0xa6: {  	s4 =	sshll.u32 s25, $0x1;
	[dreg:$0x2] =	wrdreg s2  }
0xa7: {  	[dreg:$0x3] =	wrdreg s4  }
0xa8: {  	[dreg:$0x4] =	wrdreg $0xC0  }
0xa9: {  	_ =	task [dreg:s6], $0x5FFFF  }
0xaa: {  	[dreg:$0x1] =	wrdreg $0xFFFFFFFF  }
0xab: {  	[dreg:$0x0] =	wrdreg $0x60  }
0xac: {  	[dreg:$0x2] =	wrdreg s0  }
0xad: {  	[dreg:$0x3] =	wrdreg s22  }
0xae: {  	[dreg:$0x4] =	wrdreg s16  }
0xaf: {  	[dreg:$0x5] =	wrdreg $0x8000  }
0xb0: {  	[dreg:$0x6] =	wrdreg $0x9  }
0xb1: {  	_ =	task.clear_ibuf [dreg:s6], $0x7FFFF;
	_ =	strace $0x90000046  }
0xb2: {  	s26 =	simm.s32 $0x9;
	_ =	strace $0x80000048  }
0xb3: {  	_ =	swait.ge [sflag:s26], $0x1  }
0xb4: {  	[sflag:s26] =	ssyncadd.s32 $0xFFFFFFFF  }
0xb5: {  	_ =	strace $0x90000048  }
0xb6: {  	_ =	sfence  }
0xb7: {  	s28 =	sld [smem:$0x0];
	_ =	sdelay $0x1  }
0xb8: {  	s29 =	srdreg.scid  }
0xb9: {  	s30 =	sshll.u32 s29, $0xD;
	s31 =	sshrl.u32 s29, $0x2  }
0xba: {  	s1 =	sand.u32 $0x1, s29;
	s2 =	sand.u32 $0x4000, s30;
	s0 =	sadd.s32 s31, s28  }
0xbb: {  	s1 =	sor.u32 s2, s1;
	s0 =	sshll.u32 s0, $0x11  }
0xbc: {  	s0 =	sor.u32 s0, s1  }
0xbd: {  	s0 =	sadd.s32 $0x8F2B, s0  }
0xbe: {  	[sflag:s0] =	ssyncadd.remote.s32 $0x1  }
0xbf: {  	_ =	sfence.sel $0xFFFF  }
0xc0: {  	[dreg:$0x0] =	wrdreg $0xFFFFFFFF;
	(pc) =	sbr.abs _section_cstart, $3  }
0xc1: {  	[dreg:$0x1] =	wrdreg $0xFFFFFFFF  }
0xc2: {  	_ =	task.clear_ibuf [dreg:s6], $0x2FFFF;
	_ =	strace $0x9FFFFFFF  }
0xc3: {  	(tm) =	ssettm $0x7FFFFFFF  }
tec
execute0_lowered:
.L_overlay_start_1:
0x0: {  	(tag) =	ssettag $0x1  }
0x1: {  	s3 =	rddreg [dreg:$0x0]  }
0x2: {  	s4 =	rddreg [dreg:$0x1]  }
0x3: {  	s1 =	rddreg [dreg:$0x2]  }
0x4: {  	s5 =	rddreg [dreg:$0x3]  }
0x5: {  	s0 =	rddreg [dreg:$0x4];
	s2 =	simm.s32 $0x0;
	s6 =	stileid.u32  }
0x6: {  	[smem:$0x7FF] =	sst s2;
	p0 =	sne.s32 s6, $0x0;
	s4 =	sadd.s32 $0x800, s4  }
0x7: {  	_ =	strace $0x80000047;
	s7 =	sshrl.u32 @!p0 s5, $0x3;
	s8 =	simm.s32 @!p0 $0x1C02  }
0x8: {  	[spmem:s7], [sflag:s8] =	dma.local @!p0 [hbm:s4], $0x4F0  }
0x9: {  	s4 =	simm.s32 @!p0 $0x2  }
0xa: {  	_ =	swait.ge @!p0 [sflag:s4], $0x4F0  }
0xb: {  	s6 =	sshll.u32 s6, $0x7;
	[sflag:s4] =	ssyncset.done @!p0 $0x0  }
0xc: {  	s15 =	simm.s32 $0x2;
	s3 =	sadd.s32 s3, s6;
	[sflag:s4] =	ssyncadd.s32 @!p0 $0xFFFFFB10  }
0xd: {  	[tilespmem:s2], [sflag:$0x2] =	stream.linear.gather [hbm4b:s3+s2], $0x400, $0x38;
	[tilespmem:$0xA78] =	vst v63  }
0xe: {  	_ =	swait.ge [sflag:s15], $0x400  }
0xf: {  	[sflag:s15] =	ssyncset.done $0x0  }
0x10: {  	[sflag:s15] =	ssyncadd.s32 $0xFFFFFC00  }
0x11: {  	s16 =	simm.s32 $0x80;
	s17 =	simm.s32 $0x400;
	[bflag:$0x0] =	sbarrier.arrive $0xFFFF  }
0x12: {  	[tilespmem:s17], [sflag:$0x1] =	stream.indirect.gather [spmem:s5], $0x1, s2, s16, $0xb8;
	[tilespmem:$0xA78] =	vst v63  }
0x13: {  	s18 =	simm.s32 $0x480  }
0x14: {  	[tilespmem:s18], [sflag:$0x1] =	stream.indirect.gather [spmem:s5], $0x1, s16, s16, $0xb8;
	[tilespmem:$0xA78] =	vst v63  }
0x15: {  	s19 =	simm.s32 $0x100;
	s9 =	simm.s32 $0x500  }
0x16: {  	[tilespmem:s9], [sflag:$0x1] =	stream.indirect.gather [spmem:s5], $0x1, s19, s16, $0xb8;
	[tilespmem:$0xA78] =	vst v63  }
0x17: {  	s20 =	simm.s32 $0x180;
	s21 =	simm.s32 $0x580  }
0x18: {  	[tilespmem:s21], [sflag:$0x1] =	stream.indirect.gather [spmem:s5], $0x1, s20, s16, $0xb8;
	[tilespmem:$0xA78] =	vst v63  }
0x19: {  	s22 =	simm.s32 $0x200;
	s23 =	simm.s32 $0x600  }
0x1a: {  	[tilespmem:s23], [sflag:$0x1] =	stream.indirect.gather [spmem:s5], $0x1, s22, s16, $0xb8;
	[tilespmem:$0xA78] =	vst v63  }
0x1b: {  	s24 =	simm.s32 $0x280;
	s25 =	simm.s32 $0x680  }
0x1c: {  	[tilespmem:s25], [sflag:$0x1] =	stream.indirect.gather [spmem:s5], $0x1, s24, s16, $0xb8;
	[tilespmem:$0xA78] =	vst v63  }
0x1d: {  	s26 =	simm.s32 $0x300;
	s28 =	simm.s32 $0x700  }
0x1e: {  	[tilespmem:s28], [sflag:$0x1] =	stream.indirect.gather [spmem:s5], $0x1, s26, s16, $0xb8;
	[tilespmem:$0xA78] =	vst v63  }
0x1f: {  	s29 =	simm.s32 $0x380;
	s30 =	simm.s32 $0x780;
	s31 =	simm.s32 $0x1  }
0x20: {  	[tilespmem:s30], [sflag:$0x1] =	stream.indirect.gather [spmem:s5], $0x1, s29, s16, $0xb8;
	[tilespmem:$0xA78] =	vst v63  }
0x21: {  	_ =	swait.ge [sflag:s31], $0x80  }
0x22: {  	[sflag:s31] =	ssyncset.done $0x0  }
0x23: {  	[sflag:s31] =	ssyncadd.s32 $0xFFFFFF80  }
0x24: {  	_ =	swait.ge [sflag:s31], $0x80  }
0x25: {  	[sflag:s31] =	ssyncset.done $0x0  }
0x26: {  	[sflag:s31] =	ssyncadd.s32 $0xFFFFFF80  }
0x27: {  	_ =	swait.ge [sflag:s31], $0x80  }
0x28: {  	[sflag:s31] =	ssyncset.done $0x0  }
0x29: {  	[sflag:s31] =	ssyncadd.s32 $0xFFFFFF80  }
0x2a: {  	_ =	swait.ge [sflag:s31], $0x80  }
0x2b: {  	[sflag:s31] =	ssyncset.done $0x0  }
0x2c: {  	[sflag:s31] =	ssyncadd.s32 $0xFFFFFF80  }
0x2d: {  	_ =	swait.ge [sflag:s31], $0x80  }
0x2e: {  	[sflag:s31] =	ssyncset.done $0x0  }
0x2f: {  	[sflag:s31] =	ssyncadd.s32 $0xFFFFFF80  }
0x30: {  	_ =	swait.ge [sflag:s31], $0x80  }
0x31: {  	[sflag:s31] =	ssyncset.done $0x0  }
0x32: {  	[sflag:s31] =	ssyncadd.s32 $0xFFFFFF80  }
0x33: {  	_ =	swait.ge [sflag:s31], $0x80  }
0x34: {  	[sflag:s31] =	ssyncset.done $0x0  }
0x35: {  	[sflag:s31] =	ssyncadd.s32 $0xFFFFFF80  }
0x36: {  	_ =	swait.ge [sflag:s31], $0x80  }
0x37: {  	[sflag:s31] =	ssyncset.done $0x0  }
0x38: {  	s1 =	sadd.s32 s1, s6;
	[sflag:s31] =	ssyncadd.s32 $0xFFFFFF80  }
0x39: {  	[hbm4b:s1+s2] =	stream.linear.scatter [tilespmem:s17], [sflag:$0x2], $0x400, $0x38;
	[tilespmem:$0xA78] =	vst v63  }
0x3a: {  	_ =	swait.ge [sflag:s15], $0x400  }
0x3b: {  	[sflag:s15] =	ssyncset.done $0x0  }
0x3c: {  	[sflag:s15] =	ssyncadd.s32 $0xFFFFFC00  }
0x3d: {  	_ =	sfence.sel $0x180000  }
0x3e: {  	[bflag:$0x0] =	sbarrier.arrive $0xFFFF  }
0x3f: {  	_ =	strace $0x90000047  }
0x40: {  	s0 =	sadd.s32 @!p0 $0x100000, s0;
	[bflag:$0x2] =	sbarrier.arrive $0xFFFF  }
0x41: {  	[sflag:s0] =	ssyncadd.tile.s32 @!p0 $0x1;
	_ =	shalt  }
.Lfunc_end2:
_tile_overlayer_lowered:
.L_overlay_start_2:
0x42: {  	(tag) =	ssettag $0x2  }
0x43: {  	s0 =	rddreg [dreg:$0x0];
	s2 =	stileid.u32  }
0x44: {  	s1 =	rddreg [dreg:$0x1];
	p0 =	sne.s32 s2, $0x0  }
0x45: {  	s3 =	rddreg [dreg:$0x2];
	[bflag:$0x3] =	sbarrier.arrive $0xFFFF;
	s2 =	simm.s32 @!p0 $0x1C02  }
0x46: {  	[timem:s3], [sflag:s2] =	dma.local @!p0 [hbm:s0], s1  }
0x47: {  	s0 =	simm.s32 @!p0 $0x2  }
0x48: {  	_ =	swait.ge @!p0 [sflag:s0], s1  }
0x49: {  	s1 =	ssub.s32 @!p0 $0x0, s1;
	[sflag:s0] =	ssyncset.done @!p0 $0x0  }
0x4a: {  	[sflag:s0] =	ssyncadd.s32 @!p0 s1  }
0x4b: {  	[bflag:$0x3] =	sbarrier.arrive $0xFFFF  }
0x4c: {  	_ =	shalt  }

</sc_bundles>
